<compile_context>
chip_gen: v7x
topology: tpu7x:2x2x1
jax: 0.10.2.dev20260603
libtpu: 0.0.44.dev20260713+nightly
codegen_flags: <defaults>
</compile_context>

<pallas_src>
import jax
import jax.numpy as jnp
from jax import lax
from jax.experimental import pallas as pl
from jax.experimental.pallas import tpu as pltpu
from jax.experimental.pallas import tpu_sc as plsc

D_MODEL = 128
BATCH = 4096
HIST = 200
TOTAL = BATCH * HIST

_NC, _NS = 2, 16
_NW = _NC * _NS
_PER_W = TOTAL // _NW
_CHUNK = 128
_NCHUNK = _PER_W // _CHUNK
_NBUF = 6
_HALF = _NBUF // 2
_NSTEP = _NCHUNK // _NBUF
_REM = _NCHUNK - _NSTEP * _NBUF


def _emb_body(W_hbm, x_hbm, out_hbm, idx_v, rows_v, gsems, ssems):
    wid = lax.axis_index("s") * _NC + lax.axis_index("c")
    base_chunk = wid * _NCHUNK
    base_row = wid * _PER_W

    pltpu.sync_copy(x_hbm.at[pl.ds(base_chunk, _NCHUNK)], idx_v)

    def start_gather(b, chunk):
        pltpu.async_copy(W_hbm.at[idx_v.at[chunk]], rows_v.at[b], gsems.at[b])

    def wait_gather(b):
        pltpu.make_async_copy(W_hbm.at[idx_v.at[0]], rows_v.at[b],
                              gsems.at[b]).wait()

    def start_store(b, chunk):
        pltpu.async_copy(rows_v.at[b],
                         out_hbm.at[pl.ds(base_row + chunk * _CHUNK, _CHUNK)],
                         ssems.at[b])

    def wait_store(b):
        pltpu.make_async_copy(rows_v.at[b],
                              out_hbm.at[pl.ds(base_row, _CHUNK)],
                              ssems.at[b]).wait()

    for c in range(_HALF):
        start_gather(c, c)

    def step(i, carry):
        j = i * _NBUF

        for c in range(_HALF):
            wait_gather(c)
            start_store(c, j + c)

        for c in range(_HALF):
            b = _HALF + c

            @pl.when(i > 0)
            def _():
                wait_store(b)

            start_gather(b, j + _HALF + c)

        for c in range(_HALF):
            b = _HALF + c
            wait_gather(b)
            start_store(b, j + _HALF + c)

        for c in range(_HALF):
            if c < _REM:
                wait_store(c)
                start_gather(c, j + _NBUF + c)
            else:

                @pl.when(i < _NSTEP - 1)
                def _():
                    wait_store(c)
                    start_gather(c, j + _NBUF + c)

        return carry

    lax.fori_loop(0, _NSTEP, step, 0)

    last = _NSTEP * _NBUF
    for c in range(_REM):
        wait_gather(c)
        start_store(c, last + c)
    for c in range(_REM):
        wait_store(c)
    for b in range(_REM, _NBUF):
        wait_store(b)


@jax.jit
def kernel(x, W):
    xf = x.reshape(TOTAL // _CHUNK, _CHUNK)
    mesh = plsc.VectorSubcoreMesh(core_axis_name="c", subcore_axis_name="s")
    out = pl.kernel(
        _emb_body,
        mesh=mesh,
        out_type=jax.ShapeDtypeStruct((TOTAL, D_MODEL), jnp.float32),
        scratch_types=[
            pltpu.VMEM((_NCHUNK, _CHUNK), jnp.int32),
            pltpu.VMEM((_NBUF, _CHUNK, D_MODEL), jnp.float32),
            pltpu.SemaphoreType.DMA((_NBUF,)),
            pltpu.SemaphoreType.DMA((_NBUF,)),
        ],
    )(W, xf)
    return out.reshape(BATCH, HIST, D_MODEL)

# --- scband reference (transcript-rebuilt; emitter-appended) ---
"""Pipeline reference for scband-fixed-embedding-47622597378694 (READ-ONLY COPY).

The authoritative reference and input builder live on the scoring server;
editing this copy changes nothing except your own understanding.
"""

import jax, jax.numpy as jnp
import numpy as np
import math

C_IN = 100000
D_MODEL = 128
BATCH = 4096
HIST = 200

def _make_table(c_in, d_model):
    position = np.arange(c_in, dtype=np.float32)[:, None]
    div_term = np.exp(np.arange(0, d_model, 2, dtype=np.float32) * (-math.log(10000.0) / d_model))
    w = np.zeros((c_in, d_model), dtype=np.float32)
    w[:, 0::2] = np.sin(position * div_term)
    w[:, 1::2] = np.cos(position * div_term)
    return jnp.asarray(w)

def setup_inputs(seed: int = 0) -> dict:
    key = jax.random.key(seed)
    x = jax.random.randint(key, (BATCH, HIST), 0, C_IN, dtype=jnp.int32)
    W = _make_table(C_IN, D_MODEL)
    return {"x": x, "W": W}

def reference(x, W):
    # nn.Embedding lookup with fixed (non-trainable) sinusoidal table; .detach() -> stop_gradient
    out = jnp.take(W, x, axis=0)
    return jax.lax.stop_gradient(out)

if __name__ == "__main__":
    import jax
    _d = setup_inputs()
    print(jax.jit(kernel)(*tuple(_d.values())))

</pallas_src>

<mosaic_0001>
#map = affine_map<(d0, d1) -> (0, 0)>
module attributes {stable_mosaic.version = 14 : i64} {
  func.func @_emb_body(%arg0: i32, %arg1: i32, %arg2: memref<100000x128xf32, #tpu.memory_space<hbm>>, %arg3: memref<6400x128xi32, #tpu.memory_space<hbm>>, %arg4: memref<819200x128xf32, #tpu.memory_space<hbm>>, %arg5: memref<200x128xi32, #tpu.memory_space<vmem>>, %arg6: memref<6x128x128xf32, #tpu.memory_space<vmem>>, %arg7: memref<6x!tpu.dma_semaphore, #tpu.memory_space<semaphore_mem>>, %arg8: memref<6x!tpu.dma_semaphore, #tpu.memory_space<semaphore_mem>>) attributes {dimension_semantics = [#tpu.dimension_semantics<core_parallel>, #tpu.dimension_semantics<subcore_parallel>], iteration_bounds = array<i64: 2, 16>, scalar_prefetch = 0 : i64, scratch_operands = 4 : i64, tpu.core_type = #tpu.core_type<sc_vector_subcore>, window_params = [{transform_indices = #map}, {transform_indices = #map}, {transform_indices = #map}]} {
    %mul3A = arith.constant 2 : i32
    %mul3A_0 = arith.muli %arg1, %mul3A : i32
    %add3A = arith.addi %mul3A_0, %arg0 : i32
    %mul3A_1 = arith.constant 200 : i32
    %mul3A_2 = arith.muli %add3A, %mul3A_1 : i32
    %mul3A_3 = arith.constant 25600 : i32
    %mul3A_4 = arith.muli %add3A, %mul3A_3 : i32
    "tpu.region"() ({
      %run_scoped3A = tpu.sem_alloc : memref<!tpu.dma_semaphore, #tpu.memory_space<semaphore_mem>>
      %dma_start3A_215 = arith.constant 0 : i32
      %dma_start3A_216 = tpu.memref_slice %arg3[%mul3A_2, %dma_start3A_215] : memref<6400x128xi32, #tpu.memory_space<hbm>> -> memref<200x128xi32, #tpu.memory_space<hbm>>
      %dma_start3A_217 = arith.constant 0 : i32
      %dma_start3A_218 = tpu.memref_slice %arg3[%mul3A_2, %dma_start3A_217] : memref<6400x128xi32, #tpu.memory_space<hbm>> -> memref<200x128xi32, #tpu.memory_space<hbm>>
      tpu.enqueue_dma source(%dma_start3A_218 : memref<200x128xi32, #tpu.memory_space<hbm>>) target(%arg5 : memref<200x128xi32, #tpu.memory_space<vmem>>) target_semaphore(%run_scoped3A : memref<!tpu.dma_semaphore, #tpu.memory_space<semaphore_mem>>)
      %dma_wait3A_219 = arith.constant 0 : i32
      %dma_wait3A_220 = tpu.memref_slice %arg3[%mul3A_2, %dma_wait3A_219] : memref<6400x128xi32, #tpu.memory_space<hbm>> -> memref<200x128xi32, #tpu.memory_space<hbm>>
      %dma_wait3A_221 = arith.constant 0 : i32
      %dma_wait3A_222 = tpu.memref_slice %arg3[%mul3A_2, %dma_wait3A_221] : memref<6400x128xi32, #tpu.memory_space<hbm>> -> memref<200x128xi32, #tpu.memory_space<hbm>>
      tpu.wait_dma2 semaphore(%run_scoped3A : memref<!tpu.dma_semaphore, #tpu.memory_space<semaphore_mem>>) src(%dma_wait3A_222 : memref<200x128xi32, #tpu.memory_space<hbm>>) dst(%arg5 : memref<200x128xi32, #tpu.memory_space<vmem>>)
      tpu.yield
    }) : () -> ()
    %dma_start3A = arith.constant 0 : i32
    %dma_start3A_5 = arith.constant 0 : i32
    %dma_start3A_6 = arith.constant 0 : i32
    %dma_start3A_7 = arith.constant 0 : i32
    %dma_start3A_8 = arith.constant 0 : i32
    %dma_start3A_9 = tpu.memref_slice %arg6[%dma_start3A_5, %dma_start3A_7, %dma_start3A_8] : memref<6x128x128xf32, #tpu.memory_space<vmem>> -> memref<1x128x128xf32, #tpu.memory_space<vmem>>
    %dma_start3A_10 = tpu.memref_squeeze %dma_start3A_9 : memref<1x128x128xf32, #tpu.memory_space<vmem>> -> memref<128x128xf32, #tpu.memory_space<vmem>>
    %dma_start3A_11 = arith.constant 0 : i32
    %dma_start3A_12 = tpu.memref_slice %arg5[%dma_start3A, %dma_start3A_11] : memref<200x128xi32, #tpu.memory_space<vmem>> -> memref<1x128xi32, #tpu.memory_space<vmem>>
    %dma_start3A_13 = tpu.memref_squeeze %dma_start3A_12 : memref<1x128xi32, #tpu.memory_space<vmem>> -> memref<128xi32, #tpu.memory_space<vmem>>
    %dma_start3A_14 = arith.constant 0 : i32
    %dma_start3A_15 = arith.constant 0 : i32
    %dma_start3A_16 = tpu.memref_slice %arg2[%dma_start3A_14, %dma_start3A_15] : memref<100000x128xf32, #tpu.memory_space<hbm>> -> memref<100000x128xf32, #tpu.memory_space<hbm>>
    %dma_start3A_17 = tpu.memref_slice %arg7[%dma_start3A_6] : memref<6x!tpu.dma_semaphore, #tpu.memory_space<semaphore_mem>> -> memref<1x!tpu.dma_semaphore, #tpu.memory_space<semaphore_mem>>
    %dma_start3A_18 = tpu.memref_squeeze %dma_start3A_17 : memref<1x!tpu.dma_semaphore, #tpu.memory_space<semaphore_mem>> -> memref<!tpu.dma_semaphore, #tpu.memory_space<semaphore_mem>>
    tpu.enqueue_indirect_dma source(%dma_start3A_16 : memref<100000x128xf32, #tpu.memory_space<hbm>>) target(%dma_start3A_10 : memref<128x128xf32, #tpu.memory_space<vmem>>) offsets(%dma_start3A_13 : memref<128xi32, #tpu.memory_space<vmem>>) semaphore(%dma_start3A_18 : memref<!tpu.dma_semaphore, #tpu.memory_space<semaphore_mem>>)
    %dma_start3A_19 = arith.constant 1 : i32
    %dma_start3A_20 = arith.constant 1 : i32
    %dma_start3A_21 = arith.constant 1 : i32
    %dma_start3A_22 = arith.constant 0 : i32
    %dma_start3A_23 = arith.constant 0 : i32
    %dma_start3A_24 = tpu.memref_slice %arg6[%dma_start3A_20, %dma_start3A_22, %dma_start3A_23] : memref<6x128x128xf32, #tpu.memory_space<vmem>> -> memref<1x128x128xf32, #tpu.memory_space<vmem>>
    %dma_start3A_25 = tpu.memref_squeeze %dma_start3A_24 : memref<1x128x128xf32, #tpu.memory_space<vmem>> -> memref<128x128xf32, #tpu.memory_space<vmem>>
    %dma_start3A_26 = arith.constant 0 : i32
    %dma_start3A_27 = tpu.memref_slice %arg5[%dma_start3A_19, %dma_start3A_26] : memref<200x128xi32, #tpu.memory_space<vmem>> -> memref<1x128xi32, #tpu.memory_space<vmem>>
    %dma_start3A_28 = tpu.memref_squeeze %dma_start3A_27 : memref<1x128xi32, #tpu.memory_space<vmem>> -> memref<128xi32, #tpu.memory_space<vmem>>
    %dma_start3A_29 = arith.constant 0 : i32
    %dma_start3A_30 = arith.constant 0 : i32
    %dma_start3A_31 = tpu.memref_slice %arg2[%dma_start3A_29, %dma_start3A_30] : memref<100000x128xf32, #tpu.memory_space<hbm>> -> memref<100000x128xf32, #tpu.memory_space<hbm>>
    %dma_start3A_32 = tpu.memref_slice %arg7[%dma_start3A_21] : memref<6x!tpu.dma_semaphore, #tpu.memory_space<semaphore_mem>> -> memref<1x!tpu.dma_semaphore, #tpu.memory_space<semaphore_mem>>
    %dma_start3A_33 = tpu.memref_squeeze %dma_start3A_32 : memref<1x!tpu.dma_semaphore, #tpu.memory_space<semaphore_mem>> -> memref<!tpu.dma_semaphore, #tpu.memory_space<semaphore_mem>>
    tpu.enqueue_indirect_dma source(%dma_start3A_31 : memref<100000x128xf32, #tpu.memory_space<hbm>>) target(%dma_start3A_25 : memref<128x128xf32, #tpu.memory_space<vmem>>) offsets(%dma_start3A_28 : memref<128xi32, #tpu.memory_space<vmem>>) semaphore(%dma_start3A_33 : memref<!tpu.dma_semaphore, #tpu.memory_space<semaphore_mem>>)
    %dma_start3A_34 = arith.constant 2 : i32
    %dma_start3A_35 = arith.constant 2 : i32
    %dma_start3A_36 = arith.constant 2 : i32
    %dma_start3A_37 = arith.constant 0 : i32
    %dma_start3A_38 = arith.constant 0 : i32
    %dma_start3A_39 = tpu.memref_slice %arg6[%dma_start3A_35, %dma_start3A_37, %dma_start3A_38] : memref<6x128x128xf32, #tpu.memory_space<vmem>> -> memref<1x128x128xf32, #tpu.memory_space<vmem>>
    %dma_start3A_40 = tpu.memref_squeeze %dma_start3A_39 : memref<1x128x128xf32, #tpu.memory_space<vmem>> -> memref<128x128xf32, #tpu.memory_space<vmem>>
    %dma_start3A_41 = arith.constant 0 : i32
    %dma_start3A_42 = tpu.memref_slice %arg5[%dma_start3A_34, %dma_start3A_41] : memref<200x128xi32, #tpu.memory_space<vmem>> -> memref<1x128xi32, #tpu.memory_space<vmem>>
    %dma_start3A_43 = tpu.memref_squeeze %dma_start3A_42 : memref<1x128xi32, #tpu.memory_space<vmem>> -> memref<128xi32, #tpu.memory_space<vmem>>
    %dma_start3A_44 = arith.constant 0 : i32
    %dma_start3A_45 = arith.constant 0 : i32
    %dma_start3A_46 = tpu.memref_slice %arg2[%dma_start3A_44, %dma_start3A_45] : memref<100000x128xf32, #tpu.memory_space<hbm>> -> memref<100000x128xf32, #tpu.memory_space<hbm>>
    %dma_start3A_47 = tpu.memref_slice %arg7[%dma_start3A_36] : memref<6x!tpu.dma_semaphore, #tpu.memory_space<semaphore_mem>> -> memref<1x!tpu.dma_semaphore, #tpu.memory_space<semaphore_mem>>
    %dma_start3A_48 = tpu.memref_squeeze %dma_start3A_47 : memref<1x!tpu.dma_semaphore, #tpu.memory_space<semaphore_mem>> -> memref<!tpu.dma_semaphore, #tpu.memory_space<semaphore_mem>>
    tpu.enqueue_indirect_dma source(%dma_start3A_46 : memref<100000x128xf32, #tpu.memory_space<hbm>>) target(%dma_start3A_40 : memref<128x128xf32, #tpu.memory_space<vmem>>) offsets(%dma_start3A_43 : memref<128xi32, #tpu.memory_space<vmem>>) semaphore(%dma_start3A_48 : memref<!tpu.dma_semaphore, #tpu.memory_space<semaphore_mem>>)
    %scan3A = arith.constant 0 : i32
    %scan3A_49 = arith.constant 0 : i32
    %scan3A_50 = arith.constant 33 : i32
    %scan3A_51 = arith.addi %scan3A_49, %scan3A_50 : i32
    %scan3A_52 = arith.constant 1 : i32
    scf.for %scan3A_215 = %scan3A_49 to %scan3A_51 step %scan3A_52  : i32 {
      %mul3A_216 = arith.constant 6 : i32
      %mul3A_217 = arith.muli %scan3A_215, %mul3A_216 : i32
      %dma_wait3A_218 = arith.constant 0 : i32
      %dma_wait3A_219 = arith.constant 0 : i32
      %dma_wait3A_220 = arith.constant 0 : i32
      %dma_wait3A_221 = arith.constant 0 : i32
      %dma_wait3A_222 = arith.constant 0 : i32
      %dma_wait3A_223 = tpu.memref_slice %arg6[%dma_wait3A_219, %dma_wait3A_221, %dma_wait3A_222] : memref<6x128x128xf32, #tpu.memory_space<vmem>> -> memref<1x128x128xf32, #tpu.memory_space<vmem>>
      %dma_wait3A_224 = tpu.memref_squeeze %dma_wait3A_223 : memref<1x128x128xf32, #tpu.memory_space<vmem>> -> memref<128x128xf32, #tpu.memory_space<vmem>>
      %dma_wait3A_225 = arith.constant 0 : i32
      %dma_wait3A_226 = tpu.memref_slice %arg5[%dma_wait3A_218, %dma_wait3A_225] : memref<200x128xi32, #tpu.memory_space<vmem>> -> memref<1x128xi32, #tpu.memory_space<vmem>>
      %dma_wait3A_227 = tpu.memref_squeeze %dma_wait3A_226 : memref<1x128xi32, #tpu.memory_space<vmem>> -> memref<128xi32, #tpu.memory_space<vmem>>
      %dma_wait3A_228 = arith.constant 0 : i32
      %dma_wait3A_229 = arith.constant 0 : i32
      %dma_wait3A_230 = tpu.memref_slice %arg2[%dma_wait3A_228, %dma_wait3A_229] : memref<100000x128xf32, #tpu.memory_space<hbm>> -> memref<100000x128xf32, #tpu.memory_space<hbm>>
      %dma_wait3A_231 = tpu.memref_slice %arg7[%dma_wait3A_220] : memref<6x!tpu.dma_semaphore, #tpu.memory_space<semaphore_mem>> -> memref<1x!tpu.dma_semaphore, #tpu.memory_space<semaphore_mem>>
      %dma_wait3A_232 = tpu.memref_squeeze %dma_wait3A_231 : memref<1x!tpu.dma_semaphore, #tpu.memory_space<semaphore_mem>> -> memref<!tpu.dma_semaphore, #tpu.memory_space<semaphore_mem>>
      tpu.wait_indirect_dma semaphore(%dma_wait3A_232 : memref<!tpu.dma_semaphore, #tpu.memory_space<semaphore_mem>>) src(%dma_wait3A_230 : memref<100000x128xf32, #tpu.memory_space<hbm>>) dst(%dma_wait3A_224 : memref<128x128xf32, #tpu.memory_space<vmem>>)
      %add3A_233 = arith.constant 0 : i32
      %add3A_234 = arith.addi %mul3A_217, %add3A_233 : i32
      %mul3A_235 = arith.constant 128 : i32
      %mul3A_236 = arith.muli %add3A_234, %mul3A_235 : i32
      %add3A_237 = arith.addi %mul3A_4, %mul3A_236 : i32
      %dma_start3A_238 = arith.constant 0 : i32
      %dma_start3A_239 = arith.constant 0 : i32
      %dma_start3A_240 = arith.constant 0 : i32
      %dma_start3A_241 = arith.constant 0 : i32
      %dma_start3A_242 = tpu.memref_slice %arg6[%dma_start3A_238, %dma_start3A_240, %dma_start3A_241] : memref<6x128x128xf32, #tpu.memory_space<vmem>> -> memref<1x128x128xf32, #tpu.memory_space<vmem>>
      %dma_start3A_243 = tpu.memref_squeeze %dma_start3A_242 : memref<1x128x128xf32, #tpu.memory_space<vmem>> -> memref<128x128xf32, #tpu.memory_space<vmem>>
      %dma_start3A_244 = arith.constant 0 : i32
      %dma_start3A_245 = tpu.memref_slice %arg4[%add3A_237, %dma_start3A_244] : memref<819200x128xf32, #tpu.memory_space<hbm>> -> memref<128x128xf32, #tpu.memory_space<hbm>>
      %dma_start3A_246 = tpu.memref_slice %arg8[%dma_start3A_239] : memref<6x!tpu.dma_semaphore, #tpu.memory_space<semaphore_mem>> -> memref<1x!tpu.dma_semaphore, #tpu.memory_space<semaphore_mem>>
      %dma_start3A_247 = tpu.memref_squeeze %dma_start3A_246 : memref<1x!tpu.dma_semaphore, #tpu.memory_space<semaphore_mem>> -> memref<!tpu.dma_semaphore, #tpu.memory_space<semaphore_mem>>
      %dma_start3A_248 = arith.constant 0 : i32
      %dma_start3A_249 = tpu.memref_slice %arg4[%add3A_237, %dma_start3A_248] : memref<819200x128xf32, #tpu.memory_space<hbm>> -> memref<128x128xf32, #tpu.memory_space<hbm>>
      %dma_start3A_250 = arith.constant 0 : i32
      %dma_start3A_251 = arith.constant 0 : i32
      %dma_start3A_252 = tpu.memref_slice %arg6[%dma_start3A_238, %dma_start3A_250, %dma_start3A_251] : memref<6x128x128xf32, #tpu.memory_space<vmem>> -> memref<1x128x128xf32, #tpu.memory_space<vmem>>
      %dma_start3A_253 = tpu.memref_squeeze %dma_start3A_252 : memref<1x128x128xf32, #tpu.memory_space<vmem>> -> memref<128x128xf32, #tpu.memory_space<vmem>>
      tpu.enqueue_dma source(%dma_start3A_253 : memref<128x128xf32, #tpu.memory_space<vmem>>) target(%dma_start3A_249 : memref<128x128xf32, #tpu.memory_space<hbm>>) target_semaphore(%dma_start3A_247 : memref<!tpu.dma_semaphore, #tpu.memory_space<semaphore_mem>>)
      %dma_wait3A_254 = arith.constant 0 : i32
      %dma_wait3A_255 = arith.constant 1 : i32
      %dma_wait3A_256 = arith.constant 1 : i32
      %dma_wait3A_257 = arith.constant 0 : i32
      %dma_wait3A_258 = arith.constant 0 : i32
      %dma_wait3A_259 = tpu.memref_slice %arg6[%dma_wait3A_255, %dma_wait3A_257, %dma_wait3A_258] : memref<6x128x128xf32, #tpu.memory_space<vmem>> -> memref<1x128x128xf32, #tpu.memory_space<vmem>>
      %dma_wait3A_260 = tpu.memref_squeeze %dma_wait3A_259 : memref<1x128x128xf32, #tpu.memory_space<vmem>> -> memref<128x128xf32, #tpu.memory_space<vmem>>
      %dma_wait3A_261 = arith.constant 0 : i32
      %dma_wait3A_262 = tpu.memref_slice %arg5[%dma_wait3A_254, %dma_wait3A_261] : memref<200x128xi32, #tpu.memory_space<vmem>> -> memref<1x128xi32, #tpu.memory_space<vmem>>
      %dma_wait3A_263 = tpu.memref_squeeze %dma_wait3A_262 : memref<1x128xi32, #tpu.memory_space<vmem>> -> memref<128xi32, #tpu.memory_space<vmem>>
      %dma_wait3A_264 = arith.constant 0 : i32
      %dma_wait3A_265 = arith.constant 0 : i32
      %dma_wait3A_266 = tpu.memref_slice %arg2[%dma_wait3A_264, %dma_wait3A_265] : memref<100000x128xf32, #tpu.memory_space<hbm>> -> memref<100000x128xf32, #tpu.memory_space<hbm>>
      %dma_wait3A_267 = tpu.memref_slice %arg7[%dma_wait3A_256] : memref<6x!tpu.dma_semaphore, #tpu.memory_space<semaphore_mem>> -> memref<1x!tpu.dma_semaphore, #tpu.memory_space<semaphore_mem>>
      %dma_wait3A_268 = tpu.memref_squeeze %dma_wait3A_267 : memref<1x!tpu.dma_semaphore, #tpu.memory_space<semaphore_mem>> -> memref<!tpu.dma_semaphore, #tpu.memory_space<semaphore_mem>>
      tpu.wait_indirect_dma semaphore(%dma_wait3A_268 : memref<!tpu.dma_semaphore, #tpu.memory_space<semaphore_mem>>) src(%dma_wait3A_266 : memref<100000x128xf32, #tpu.memory_space<hbm>>) dst(%dma_wait3A_260 : memref<128x128xf32, #tpu.memory_space<vmem>>)
      %add3A_269 = arith.constant 1 : i32
      %add3A_270 = arith.addi %mul3A_217, %add3A_269 : i32
      %mul3A_271 = arith.constant 128 : i32
      %mul3A_272 = arith.muli %add3A_270, %mul3A_271 : i32
      %add3A_273 = arith.addi %mul3A_4, %mul3A_272 : i32
      %dma_start3A_274 = arith.constant 1 : i32
      %dma_start3A_275 = arith.constant 1 : i32
      %dma_start3A_276 = arith.constant 0 : i32
      %dma_start3A_277 = arith.constant 0 : i32
      %dma_start3A_278 = tpu.memref_slice %arg6[%dma_start3A_274, %dma_start3A_276, %dma_start3A_277] : memref<6x128x128xf32, #tpu.memory_space<vmem>> -> memref<1x128x128xf32, #tpu.memory_space<vmem>>
      %dma_start3A_279 = tpu.memref_squeeze %dma_start3A_278 : memref<1x128x128xf32, #tpu.memory_space<vmem>> -> memref<128x128xf32, #tpu.memory_space<vmem>>
      %dma_start3A_280 = arith.constant 0 : i32
      %dma_start3A_281 = tpu.memref_slice %arg4[%add3A_273, %dma_start3A_280] : memref<819200x128xf32, #tpu.memory_space<hbm>> -> memref<128x128xf32, #tpu.memory_space<hbm>>
      %dma_start3A_282 = tpu.memref_slice %arg8[%dma_start3A_275] : memref<6x!tpu.dma_semaphore, #tpu.memory_space<semaphore_mem>> -> memref<1x!tpu.dma_semaphore, #tpu.memory_space<semaphore_mem>>
      %dma_start3A_283 = tpu.memref_squeeze %dma_start3A_282 : memref<1x!tpu.dma_semaphore, #tpu.memory_space<semaphore_mem>> -> memref<!tpu.dma_semaphore, #tpu.memory_space<semaphore_mem>>
      %dma_start3A_284 = arith.constant 0 : i32
      %dma_start3A_285 = tpu.memref_slice %arg4[%add3A_273, %dma_start3A_284] : memref<819200x128xf32, #tpu.memory_space<hbm>> -> memref<128x128xf32, #tpu.memory_space<hbm>>
      %dma_start3A_286 = arith.constant 0 : i32
      %dma_start3A_287 = arith.constant 0 : i32
      %dma_start3A_288 = tpu.memref_slice %arg6[%dma_start3A_274, %dma_start3A_286, %dma_start3A_287] : memref<6x128x128xf32, #tpu.memory_space<vmem>> -> memref<1x128x128xf32, #tpu.memory_space<vmem>>
      %dma_start3A_289 = tpu.memref_squeeze %dma_start3A_288 : memref<1x128x128xf32, #tpu.memory_space<vmem>> -> memref<128x128xf32, #tpu.memory_space<vmem>>
      tpu.enqueue_dma source(%dma_start3A_289 : memref<128x128xf32, #tpu.memory_space<vmem>>) target(%dma_start3A_285 : memref<128x128xf32, #tpu.memory_space<hbm>>) target_semaphore(%dma_start3A_283 : memref<!tpu.dma_semaphore, #tpu.memory_space<semaphore_mem>>)
      %dma_wait3A_290 = arith.constant 0 : i32
      %dma_wait3A_291 = arith.constant 2 : i32
      %dma_wait3A_292 = arith.constant 2 : i32
      %dma_wait3A_293 = arith.constant 0 : i32
      %dma_wait3A_294 = arith.constant 0 : i32
      %dma_wait3A_295 = tpu.memref_slice %arg6[%dma_wait3A_291, %dma_wait3A_293, %dma_wait3A_294] : memref<6x128x128xf32, #tpu.memory_space<vmem>> -> memref<1x128x128xf32, #tpu.memory_space<vmem>>
      %dma_wait3A_296 = tpu.memref_squeeze %dma_wait3A_295 : memref<1x128x128xf32, #tpu.memory_space<vmem>> -> memref<128x128xf32, #tpu.memory_space<vmem>>
      %dma_wait3A_297 = arith.constant 0 : i32
      %dma_wait3A_298 = tpu.memref_slice %arg5[%dma_wait3A_290, %dma_wait3A_297] : memref<200x128xi32, #tpu.memory_space<vmem>> -> memref<1x128xi32, #tpu.memory_space<vmem>>
      %dma_wait3A_299 = tpu.memref_squeeze %dma_wait3A_298 : memref<1x128xi32, #tpu.memory_space<vmem>> -> memref<128xi32, #tpu.memory_space<vmem>>
      %dma_wait3A_300 = arith.constant 0 : i32
      %dma_wait3A_301 = arith.constant 0 : i32
      %dma_wait3A_302 = tpu.memref_slice %arg2[%dma_wait3A_300, %dma_wait3A_301] : memref<100000x128xf32, #tpu.memory_space<hbm>> -> memref<100000x128xf32, #tpu.memory_space<hbm>>
      %dma_wait3A_303 = tpu.memref_slice %arg7[%dma_wait3A_292] : memref<6x!tpu.dma_semaphore, #tpu.memory_space<semaphore_mem>> -> memref<1x!tpu.dma_semaphore, #tpu.memory_space<semaphore_mem>>
      %dma_wait3A_304 = tpu.memref_squeeze %dma_wait3A_303 : memref<1x!tpu.dma_semaphore, #tpu.memory_space<semaphore_mem>> -> memref<!tpu.dma_semaphore, #tpu.memory_space<semaphore_mem>>
      tpu.wait_indirect_dma semaphore(%dma_wait3A_304 : memref<!tpu.dma_semaphore, #tpu.memory_space<semaphore_mem>>) src(%dma_wait3A_302 : memref<100000x128xf32, #tpu.memory_space<hbm>>) dst(%dma_wait3A_296 : memref<128x128xf32, #tpu.memory_space<vmem>>)
      %add3A_305 = arith.constant 2 : i32
      %add3A_306 = arith.addi %mul3A_217, %add3A_305 : i32
      %mul3A_307 = arith.constant 128 : i32
      %mul3A_308 = arith.muli %add3A_306, %mul3A_307 : i32
      %add3A_309 = arith.addi %mul3A_4, %mul3A_308 : i32
      %dma_start3A_310 = arith.constant 2 : i32
      %dma_start3A_311 = arith.constant 2 : i32
      %dma_start3A_312 = arith.constant 0 : i32
      %dma_start3A_313 = arith.constant 0 : i32
      %dma_start3A_314 = tpu.memref_slice %arg6[%dma_start3A_310, %dma_start3A_312, %dma_start3A_313] : memref<6x128x128xf32, #tpu.memory_space<vmem>> -> memref<1x128x128xf32, #tpu.memory_space<vmem>>
      %dma_start3A_315 = tpu.memref_squeeze %dma_start3A_314 : memref<1x128x128xf32, #tpu.memory_space<vmem>> -> memref<128x128xf32, #tpu.memory_space<vmem>>
      %dma_start3A_316 = arith.constant 0 : i32
      %dma_start3A_317 = tpu.memref_slice %arg4[%add3A_309, %dma_start3A_316] : memref<819200x128xf32, #tpu.memory_space<hbm>> -> memref<128x128xf32, #tpu.memory_space<hbm>>
      %dma_start3A_318 = tpu.memref_slice %arg8[%dma_start3A_311] : memref<6x!tpu.dma_semaphore, #tpu.memory_space<semaphore_mem>> -> memref<1x!tpu.dma_semaphore, #tpu.memory_space<semaphore_mem>>
      %dma_start3A_319 = tpu.memref_squeeze %dma_start3A_318 : memref<1x!tpu.dma_semaphore, #tpu.memory_space<semaphore_mem>> -> memref<!tpu.dma_semaphore, #tpu.memory_space<semaphore_mem>>
      %dma_start3A_320 = arith.constant 0 : i32
      %dma_start3A_321 = tpu.memref_slice %arg4[%add3A_309, %dma_start3A_320] : memref<819200x128xf32, #tpu.memory_space<hbm>> -> memref<128x128xf32, #tpu.memory_space<hbm>>
      %dma_start3A_322 = arith.constant 0 : i32
      %dma_start3A_323 = arith.constant 0 : i32
      %dma_start3A_324 = tpu.memref_slice %arg6[%dma_start3A_310, %dma_start3A_322, %dma_start3A_323] : memref<6x128x128xf32, #tpu.memory_space<vmem>> -> memref<1x128x128xf32, #tpu.memory_space<vmem>>
      %dma_start3A_325 = tpu.memref_squeeze %dma_start3A_324 : memref<1x128x128xf32, #tpu.memory_space<vmem>> -> memref<128x128xf32, #tpu.memory_space<vmem>>
      tpu.enqueue_dma source(%dma_start3A_325 : memref<128x128xf32, #tpu.memory_space<vmem>>) target(%dma_start3A_321 : memref<128x128xf32, #tpu.memory_space<hbm>>) target_semaphore(%dma_start3A_319 : memref<!tpu.dma_semaphore, #tpu.memory_space<semaphore_mem>>)
      %gt3A = arith.constant 0 : i32
      %gt3A_326 = arith.cmpi sgt, %scan3A_215, %gt3A : i32
      %convert_element_type3A = arith.extui %gt3A_326 : i1 to i32
      %cond3A = arith.constant 0 : i32
      %cond3A_327 = arith.cmpi ne, %convert_element_type3A, %cond3A : i32
      scf.if %cond3A_327 {
        %dma_wait3A_578 = arith.constant 3 : i32
        %dma_wait3A_579 = arith.constant 3 : i32
        %dma_wait3A_580 = arith.constant 0 : i32
        %dma_wait3A_581 = arith.constant 0 : i32
        %dma_wait3A_582 = tpu.memref_slice %arg6[%dma_wait3A_578, %dma_wait3A_580, %dma_wait3A_581] : memref<6x128x128xf32, #tpu.memory_space<vmem>> -> memref<1x128x128xf32, #tpu.memory_space<vmem>>
        %dma_wait3A_583 = tpu.memref_squeeze %dma_wait3A_582 : memref<1x128x128xf32, #tpu.memory_space<vmem>> -> memref<128x128xf32, #tpu.memory_space<vmem>>
        %dma_wait3A_584 = arith.constant 0 : i32
        %dma_wait3A_585 = tpu.memref_slice %arg4[%mul3A_4, %dma_wait3A_584] : memref<819200x128xf32, #tpu.memory_space<hbm>> -> memref<128x128xf32, #tpu.memory_space<hbm>>
        %dma_wait3A_586 = tpu.memref_slice %arg8[%dma_wait3A_579] : memref<6x!tpu.dma_semaphore, #tpu.memory_space<semaphore_mem>> -> memref<1x!tpu.dma_semaphore, #tpu.memory_space<semaphore_mem>>
        %dma_wait3A_587 = tpu.memref_squeeze %dma_wait3A_586 : memref<1x!tpu.dma_semaphore, #tpu.memory_space<semaphore_mem>> -> memref<!tpu.dma_semaphore, #tpu.memory_space<semaphore_mem>>
        %dma_wait3A_588 = arith.constant 0 : i32
        %dma_wait3A_589 = tpu.memref_slice %arg4[%mul3A_4, %dma_wait3A_588] : memref<819200x128xf32, #tpu.memory_space<hbm>> -> memref<128x128xf32, #tpu.memory_space<hbm>>
        %dma_wait3A_590 = arith.constant 0 : i32
        %dma_wait3A_591 = arith.constant 0 : i32
        %dma_wait3A_592 = tpu.memref_slice %arg6[%dma_wait3A_578, %dma_wait3A_590, %dma_wait3A_591] : memref<6x128x128xf32, #tpu.memory_space<vmem>> -> memref<1x128x128xf32, #tpu.memory_space<vmem>>
        %dma_wait3A_593 = tpu.memref_squeeze %dma_wait3A_592 : memref<1x128x128xf32, #tpu.memory_space<vmem>> -> memref<128x128xf32, #tpu.memory_space<vmem>>
        tpu.wait_dma2 semaphore(%dma_wait3A_587 : memref<!tpu.dma_semaphore, #tpu.memory_space<semaphore_mem>>) src(%dma_wait3A_593 : memref<128x128xf32, #tpu.memory_space<vmem>>) dst(%dma_wait3A_589 : memref<128x128xf32, #tpu.memory_space<hbm>>)
      } else {
      }
      %add3A_328 = arith.constant 3 : i32
      %add3A_329 = arith.addi %mul3A_217, %add3A_328 : i32
      %add3A_330 = arith.constant 0 : i32
      %add3A_331 = arith.addi %add3A_329, %add3A_330 : i32
      %dma_start3A_332 = arith.constant 3 : i32
      %dma_start3A_333 = arith.constant 3 : i32
      %dma_start3A_334 = arith.constant 0 : i32
      %dma_start3A_335 = arith.constant 0 : i32
      %dma_start3A_336 = tpu.memref_slice %arg6[%dma_start3A_332, %dma_start3A_334, %dma_start3A_335] : memref<6x128x128xf32, #tpu.memory_space<vmem>> -> memref<1x128x128xf32, #tpu.memory_space<vmem>>
      %dma_start3A_337 = tpu.memref_squeeze %dma_start3A_336 : memref<1x128x128xf32, #tpu.memory_space<vmem>> -> memref<128x128xf32, #tpu.memory_space<vmem>>
      %dma_start3A_338 = arith.constant 0 : i32
      %dma_start3A_339 = tpu.memref_slice %arg5[%add3A_331, %dma_start3A_338] : memref<200x128xi32, #tpu.memory_space<vmem>> -> memref<1x128xi32, #tpu.memory_space<vmem>>
      %dma_start3A_340 = tpu.memref_squeeze %dma_start3A_339 : memref<1x128xi32, #tpu.memory_space<vmem>> -> memref<128xi32, #tpu.memory_space<vmem>>
      %dma_start3A_341 = arith.constant 0 : i32
      %dma_start3A_342 = arith.constant 0 : i32
      %dma_start3A_343 = tpu.memref_slice %arg2[%dma_start3A_341, %dma_start3A_342] : memref<100000x128xf32, #tpu.memory_space<hbm>> -> memref<100000x128xf32, #tpu.memory_space<hbm>>
      %dma_start3A_344 = tpu.memref_slice %arg7[%dma_start3A_333] : memref<6x!tpu.dma_semaphore, #tpu.memory_space<semaphore_mem>> -> memref<1x!tpu.dma_semaphore, #tpu.memory_space<semaphore_mem>>
      %dma_start3A_345 = tpu.memref_squeeze %dma_start3A_344 : memref<1x!tpu.dma_semaphore, #tpu.memory_space<semaphore_mem>> -> memref<!tpu.dma_semaphore, #tpu.memory_space<semaphore_mem>>
      tpu.enqueue_indirect_dma source(%dma_start3A_343 : memref<100000x128xf32, #tpu.memory_space<hbm>>) target(%dma_start3A_337 : memref<128x128xf32, #tpu.memory_space<vmem>>) offsets(%dma_start3A_340 : memref<128xi32, #tpu.memory_space<vmem>>) semaphore(%dma_start3A_345 : memref<!tpu.dma_semaphore, #tpu.memory_space<semaphore_mem>>)
      %gt3A_346 = arith.constant 0 : i32
      %gt3A_347 = arith.cmpi sgt, %scan3A_215, %gt3A_346 : i32
      %convert_element_type3A_348 = arith.extui %gt3A_347 : i1 to i32
      %cond3A_349 = arith.constant 0 : i32
      %cond3A_350 = arith.cmpi ne, %convert_element_type3A_348, %cond3A_349 : i32
      scf.if %cond3A_350 {
        %dma_wait3A_578 = arith.constant 4 : i32
        %dma_wait3A_579 = arith.constant 4 : i32
        %dma_wait3A_580 = arith.constant 0 : i32
        %dma_wait3A_581 = arith.constant 0 : i32
        %dma_wait3A_582 = tpu.memref_slice %arg6[%dma_wait3A_578, %dma_wait3A_580, %dma_wait3A_581] : memref<6x128x128xf32, #tpu.memory_space<vmem>> -> memref<1x128x128xf32, #tpu.memory_space<vmem>>
        %dma_wait3A_583 = tpu.memref_squeeze %dma_wait3A_582 : memref<1x128x128xf32, #tpu.memory_space<vmem>> -> memref<128x128xf32, #tpu.memory_space<vmem>>
        %dma_wait3A_584 = arith.constant 0 : i32
        %dma_wait3A_585 = tpu.memref_slice %arg4[%mul3A_4, %dma_wait3A_584] : memref<819200x128xf32, #tpu.memory_space<hbm>> -> memref<128x128xf32, #tpu.memory_space<hbm>>
        %dma_wait3A_586 = tpu.memref_slice %arg8[%dma_wait3A_579] : memref<6x!tpu.dma_semaphore, #tpu.memory_space<semaphore_mem>> -> memref<1x!tpu.dma_semaphore, #tpu.memory_space<semaphore_mem>>
        %dma_wait3A_587 = tpu.memref_squeeze %dma_wait3A_586 : memref<1x!tpu.dma_semaphore, #tpu.memory_space<semaphore_mem>> -> memref<!tpu.dma_semaphore, #tpu.memory_space<semaphore_mem>>
        %dma_wait3A_588 = arith.constant 0 : i32
        %dma_wait3A_589 = tpu.memref_slice %arg4[%mul3A_4, %dma_wait3A_588] : memref<819200x128xf32, #tpu.memory_space<hbm>> -> memref<128x128xf32, #tpu.memory_space<hbm>>
        %dma_wait3A_590 = arith.constant 0 : i32
        %dma_wait3A_591 = arith.constant 0 : i32
        %dma_wait3A_592 = tpu.memref_slice %arg6[%dma_wait3A_578, %dma_wait3A_590, %dma_wait3A_591] : memref<6x128x128xf32, #tpu.memory_space<vmem>> -> memref<1x128x128xf32, #tpu.memory_space<vmem>>
        %dma_wait3A_593 = tpu.memref_squeeze %dma_wait3A_592 : memref<1x128x128xf32, #tpu.memory_space<vmem>> -> memref<128x128xf32, #tpu.memory_space<vmem>>
        tpu.wait_dma2 semaphore(%dma_wait3A_587 : memref<!tpu.dma_semaphore, #tpu.memory_space<semaphore_mem>>) src(%dma_wait3A_593 : memref<128x128xf32, #tpu.memory_space<vmem>>) dst(%dma_wait3A_589 : memref<128x128xf32, #tpu.memory_space<hbm>>)
      } else {
      }
      %add3A_351 = arith.constant 3 : i32
      %add3A_352 = arith.addi %mul3A_217, %add3A_351 : i32
      %add3A_353 = arith.constant 1 : i32
      %add3A_354 = arith.addi %add3A_352, %add3A_353 : i32
      %dma_start3A_355 = arith.constant 4 : i32
      %dma_start3A_356 = arith.constant 4 : i32
      %dma_start3A_357 = arith.constant 0 : i32
      %dma_start3A_358 = arith.constant 0 : i32
      %dma_start3A_359 = tpu.memref_slice %arg6[%dma_start3A_355, %dma_start3A_357, %dma_start3A_358] : memref<6x128x128xf32, #tpu.memory_space<vmem>> -> memref<1x128x128xf32, #tpu.memory_space<vmem>>
      %dma_start3A_360 = tpu.memref_squeeze %dma_start3A_359 : memref<1x128x128xf32, #tpu.memory_space<vmem>> -> memref<128x128xf32, #tpu.memory_space<vmem>>
      %dma_start3A_361 = arith.constant 0 : i32
      %dma_start3A_362 = tpu.memref_slice %arg5[%add3A_354, %dma_start3A_361] : memref<200x128xi32, #tpu.memory_space<vmem>> -> memref<1x128xi32, #tpu.memory_space<vmem>>
      %dma_start3A_363 = tpu.memref_squeeze %dma_start3A_362 : memref<1x128xi32, #tpu.memory_space<vmem>> -> memref<128xi32, #tpu.memory_space<vmem>>
      %dma_start3A_364 = arith.constant 0 : i32
      %dma_start3A_365 = arith.constant 0 : i32
      %dma_start3A_366 = tpu.memref_slice %arg2[%dma_start3A_364, %dma_start3A_365] : memref<100000x128xf32, #tpu.memory_space<hbm>> -> memref<100000x128xf32, #tpu.memory_space<hbm>>
      %dma_start3A_367 = tpu.memref_slice %arg7[%dma_start3A_356] : memref<6x!tpu.dma_semaphore, #tpu.memory_space<semaphore_mem>> -> memref<1x!tpu.dma_semaphore, #tpu.memory_space<semaphore_mem>>
      %dma_start3A_368 = tpu.memref_squeeze %dma_start3A_367 : memref<1x!tpu.dma_semaphore, #tpu.memory_space<semaphore_mem>> -> memref<!tpu.dma_semaphore, #tpu.memory_space<semaphore_mem>>
      tpu.enqueue_indirect_dma source(%dma_start3A_366 : memref<100000x128xf32, #tpu.memory_space<hbm>>) target(%dma_start3A_360 : memref<128x128xf32, #tpu.memory_space<vmem>>) offsets(%dma_start3A_363 : memref<128xi32, #tpu.memory_space<vmem>>) semaphore(%dma_start3A_368 : memref<!tpu.dma_semaphore, #tpu.memory_space<semaphore_mem>>)
      %gt3A_369 = arith.constant 0 : i32
      %gt3A_370 = arith.cmpi sgt, %scan3A_215, %gt3A_369 : i32
      %convert_element_type3A_371 = arith.extui %gt3A_370 : i1 to i32
      %cond3A_372 = arith.constant 0 : i32
      %cond3A_373 = arith.cmpi ne, %convert_element_type3A_371, %cond3A_372 : i32
      scf.if %cond3A_373 {
        %dma_wait3A_578 = arith.constant 5 : i32
        %dma_wait3A_579 = arith.constant 5 : i32
        %dma_wait3A_580 = arith.constant 0 : i32
        %dma_wait3A_581 = arith.constant 0 : i32
        %dma_wait3A_582 = tpu.memref_slice %arg6[%dma_wait3A_578, %dma_wait3A_580, %dma_wait3A_581] : memref<6x128x128xf32, #tpu.memory_space<vmem>> -> memref<1x128x128xf32, #tpu.memory_space<vmem>>
        %dma_wait3A_583 = tpu.memref_squeeze %dma_wait3A_582 : memref<1x128x128xf32, #tpu.memory_space<vmem>> -> memref<128x128xf32, #tpu.memory_space<vmem>>
        %dma_wait3A_584 = arith.constant 0 : i32
        %dma_wait3A_585 = tpu.memref_slice %arg4[%mul3A_4, %dma_wait3A_584] : memref<819200x128xf32, #tpu.memory_space<hbm>> -> memref<128x128xf32, #tpu.memory_space<hbm>>
        %dma_wait3A_586 = tpu.memref_slice %arg8[%dma_wait3A_579] : memref<6x!tpu.dma_semaphore, #tpu.memory_space<semaphore_mem>> -> memref<1x!tpu.dma_semaphore, #tpu.memory_space<semaphore_mem>>
        %dma_wait3A_587 = tpu.memref_squeeze %dma_wait3A_586 : memref<1x!tpu.dma_semaphore, #tpu.memory_space<semaphore_mem>> -> memref<!tpu.dma_semaphore, #tpu.memory_space<semaphore_mem>>
        %dma_wait3A_588 = arith.constant 0 : i32
        %dma_wait3A_589 = tpu.memref_slice %arg4[%mul3A_4, %dma_wait3A_588] : memref<819200x128xf32, #tpu.memory_space<hbm>> -> memref<128x128xf32, #tpu.memory_space<hbm>>
        %dma_wait3A_590 = arith.constant 0 : i32
        %dma_wait3A_591 = arith.constant 0 : i32
        %dma_wait3A_592 = tpu.memref_slice %arg6[%dma_wait3A_578, %dma_wait3A_590, %dma_wait3A_591] : memref<6x128x128xf32, #tpu.memory_space<vmem>> -> memref<1x128x128xf32, #tpu.memory_space<vmem>>
        %dma_wait3A_593 = tpu.memref_squeeze %dma_wait3A_592 : memref<1x128x128xf32, #tpu.memory_space<vmem>> -> memref<128x128xf32, #tpu.memory_space<vmem>>
        tpu.wait_dma2 semaphore(%dma_wait3A_587 : memref<!tpu.dma_semaphore, #tpu.memory_space<semaphore_mem>>) src(%dma_wait3A_593 : memref<128x128xf32, #tpu.memory_space<vmem>>) dst(%dma_wait3A_589 : memref<128x128xf32, #tpu.memory_space<hbm>>)
      } else {
      }
      %add3A_374 = arith.constant 3 : i32
      %add3A_375 = arith.addi %mul3A_217, %add3A_374 : i32
      %add3A_376 = arith.constant 2 : i32
      %add3A_377 = arith.addi %add3A_375, %add3A_376 : i32
      %dma_start3A_378 = arith.constant 5 : i32
      %dma_start3A_379 = arith.constant 5 : i32
      %dma_start3A_380 = arith.constant 0 : i32
      %dma_start3A_381 = arith.constant 0 : i32
      %dma_start3A_382 = tpu.memref_slice %arg6[%dma_start3A_378, %dma_start3A_380, %dma_start3A_381] : memref<6x128x128xf32, #tpu.memory_space<vmem>> -> memref<1x128x128xf32, #tpu.memory_space<vmem>>
      %dma_start3A_383 = tpu.memref_squeeze %dma_start3A_382 : memref<1x128x128xf32, #tpu.memory_space<vmem>> -> memref<128x128xf32, #tpu.memory_space<vmem>>
      %dma_start3A_384 = arith.constant 0 : i32
      %dma_start3A_385 = tpu.memref_slice %arg5[%add3A_377, %dma_start3A_384] : memref<200x128xi32, #tpu.memory_space<vmem>> -> memref<1x128xi32, #tpu.memory_space<vmem>>
      %dma_start3A_386 = tpu.memref_squeeze %dma_start3A_385 : memref<1x128xi32, #tpu.memory_space<vmem>> -> memref<128xi32, #tpu.memory_space<vmem>>
      %dma_start3A_387 = arith.constant 0 : i32
      %dma_start3A_388 = arith.constant 0 : i32
      %dma_start3A_389 = tpu.memref_slice %arg2[%dma_start3A_387, %dma_start3A_388] : memref<100000x128xf32, #tpu.memory_space<hbm>> -> memref<100000x128xf32, #tpu.memory_space<hbm>>
      %dma_start3A_390 = tpu.memref_slice %arg7[%dma_start3A_379] : memref<6x!tpu.dma_semaphore, #tpu.memory_space<semaphore_mem>> -> memref<1x!tpu.dma_semaphore, #tpu.memory_space<semaphore_mem>>
      %dma_start3A_391 = tpu.memref_squeeze %dma_start3A_390 : memref<1x!tpu.dma_semaphore, #tpu.memory_space<semaphore_mem>> -> memref<!tpu.dma_semaphore, #tpu.memory_space<semaphore_mem>>
      tpu.enqueue_indirect_dma source(%dma_start3A_389 : memref<100000x128xf32, #tpu.memory_space<hbm>>) target(%dma_start3A_383 : memref<128x128xf32, #tpu.memory_space<vmem>>) offsets(%dma_start3A_386 : memref<128xi32, #tpu.memory_space<vmem>>) semaphore(%dma_start3A_391 : memref<!tpu.dma_semaphore, #tpu.memory_space<semaphore_mem>>)
      %dma_wait3A_392 = arith.constant 0 : i32
      %dma_wait3A_393 = arith.constant 3 : i32
      %dma_wait3A_394 = arith.constant 3 : i32
      %dma_wait3A_395 = arith.constant 0 : i32
      %dma_wait3A_396 = arith.constant 0 : i32
      %dma_wait3A_397 = tpu.memref_slice %arg6[%dma_wait3A_393, %dma_wait3A_395, %dma_wait3A_396] : memref<6x128x128xf32, #tpu.memory_space<vmem>> -> memref<1x128x128xf32, #tpu.memory_space<vmem>>
      %dma_wait3A_398 = tpu.memref_squeeze %dma_wait3A_397 : memref<1x128x128xf32, #tpu.memory_space<vmem>> -> memref<128x128xf32, #tpu.memory_space<vmem>>
      %dma_wait3A_399 = arith.constant 0 : i32
      %dma_wait3A_400 = tpu.memref_slice %arg5[%dma_wait3A_392, %dma_wait3A_399] : memref<200x128xi32, #tpu.memory_space<vmem>> -> memref<1x128xi32, #tpu.memory_space<vmem>>
      %dma_wait3A_401 = tpu.memref_squeeze %dma_wait3A_400 : memref<1x128xi32, #tpu.memory_space<vmem>> -> memref<128xi32, #tpu.memory_space<vmem>>
      %dma_wait3A_402 = arith.constant 0 : i32
      %dma_wait3A_403 = arith.constant 0 : i32
      %dma_wait3A_404 = tpu.memref_slice %arg2[%dma_wait3A_402, %dma_wait3A_403] : memref<100000x128xf32, #tpu.memory_space<hbm>> -> memref<100000x128xf32, #tpu.memory_space<hbm>>
      %dma_wait3A_405 = tpu.memref_slice %arg7[%dma_wait3A_394] : memref<6x!tpu.dma_semaphore, #tpu.memory_space<semaphore_mem>> -> memref<1x!tpu.dma_semaphore, #tpu.memory_space<semaphore_mem>>
      %dma_wait3A_406 = tpu.memref_squeeze %dma_wait3A_405 : memref<1x!tpu.dma_semaphore, #tpu.memory_space<semaphore_mem>> -> memref<!tpu.dma_semaphore, #tpu.memory_space<semaphore_mem>>
      tpu.wait_indirect_dma semaphore(%dma_wait3A_406 : memref<!tpu.dma_semaphore, #tpu.memory_space<semaphore_mem>>) src(%dma_wait3A_404 : memref<100000x128xf32, #tpu.memory_space<hbm>>) dst(%dma_wait3A_398 : memref<128x128xf32, #tpu.memory_space<vmem>>)
      %add3A_407 = arith.constant 3 : i32
      %add3A_408 = arith.addi %mul3A_217, %add3A_407 : i32
      %add3A_409 = arith.constant 0 : i32
      %add3A_410 = arith.addi %add3A_408, %add3A_409 : i32
      %mul3A_411 = arith.constant 128 : i32
      %mul3A_412 = arith.muli %add3A_410, %mul3A_411 : i32
      %add3A_413 = arith.addi %mul3A_4, %mul3A_412 : i32
      %dma_start3A_414 = arith.constant 3 : i32
      %dma_start3A_415 = arith.constant 3 : i32
      %dma_start3A_416 = arith.constant 0 : i32
      %dma_start3A_417 = arith.constant 0 : i32
      %dma_start3A_418 = tpu.memref_slice %arg6[%dma_start3A_414, %dma_start3A_416, %dma_start3A_417] : memref<6x128x128xf32, #tpu.memory_space<vmem>> -> memref<1x128x128xf32, #tpu.memory_space<vmem>>
      %dma_start3A_419 = tpu.memref_squeeze %dma_start3A_418 : memref<1x128x128xf32, #tpu.memory_space<vmem>> -> memref<128x128xf32, #tpu.memory_space<vmem>>
      %dma_start3A_420 = arith.constant 0 : i32
      %dma_start3A_421 = tpu.memref_slice %arg4[%add3A_413, %dma_start3A_420] : memref<819200x128xf32, #tpu.memory_space<hbm>> -> memref<128x128xf32, #tpu.memory_space<hbm>>
      %dma_start3A_422 = tpu.memref_slice %arg8[%dma_start3A_415] : memref<6x!tpu.dma_semaphore, #tpu.memory_space<semaphore_mem>> -> memref<1x!tpu.dma_semaphore, #tpu.memory_space<semaphore_mem>>
      %dma_start3A_423 = tpu.memref_squeeze %dma_start3A_422 : memref<1x!tpu.dma_semaphore, #tpu.memory_space<semaphore_mem>> -> memref<!tpu.dma_semaphore, #tpu.memory_space<semaphore_mem>>
      %dma_start3A_424 = arith.constant 0 : i32
      %dma_start3A_425 = tpu.memref_slice %arg4[%add3A_413, %dma_start3A_424] : memref<819200x128xf32, #tpu.memory_space<hbm>> -> memref<128x128xf32, #tpu.memory_space<hbm>>
      %dma_start3A_426 = arith.constant 0 : i32
      %dma_start3A_427 = arith.constant 0 : i32
      %dma_start3A_428 = tpu.memref_slice %arg6[%dma_start3A_414, %dma_start3A_426, %dma_start3A_427] : memref<6x128x128xf32, #tpu.memory_space<vmem>> -> memref<1x128x128xf32, #tpu.memory_space<vmem>>
      %dma_start3A_429 = tpu.memref_squeeze %dma_start3A_428 : memref<1x128x128xf32, #tpu.memory_space<vmem>> -> memref<128x128xf32, #tpu.memory_space<vmem>>
      tpu.enqueue_dma source(%dma_start3A_429 : memref<128x128xf32, #tpu.memory_space<vmem>>) target(%dma_start3A_425 : memref<128x128xf32, #tpu.memory_space<hbm>>) target_semaphore(%dma_start3A_423 : memref<!tpu.dma_semaphore, #tpu.memory_space<semaphore_mem>>)
      %dma_wait3A_430 = arith.constant 0 : i32
      %dma_wait3A_431 = arith.constant 4 : i32
      %dma_wait3A_432 = arith.constant 4 : i32
      %dma_wait3A_433 = arith.constant 0 : i32
      %dma_wait3A_434 = arith.constant 0 : i32
      %dma_wait3A_435 = tpu.memref_slice %arg6[%dma_wait3A_431, %dma_wait3A_433, %dma_wait3A_434] : memref<6x128x128xf32, #tpu.memory_space<vmem>> -> memref<1x128x128xf32, #tpu.memory_space<vmem>>
      %dma_wait3A_436 = tpu.memref_squeeze %dma_wait3A_435 : memref<1x128x128xf32, #tpu.memory_space<vmem>> -> memref<128x128xf32, #tpu.memory_space<vmem>>
      %dma_wait3A_437 = arith.constant 0 : i32
      %dma_wait3A_438 = tpu.memref_slice %arg5[%dma_wait3A_430, %dma_wait3A_437] : memref<200x128xi32, #tpu.memory_space<vmem>> -> memref<1x128xi32, #tpu.memory_space<vmem>>
      %dma_wait3A_439 = tpu.memref_squeeze %dma_wait3A_438 : memref<1x128xi32, #tpu.memory_space<vmem>> -> memref<128xi32, #tpu.memory_space<vmem>>
      %dma_wait3A_440 = arith.constant 0 : i32
      %dma_wait3A_441 = arith.constant 0 : i32
      %dma_wait3A_442 = tpu.memref_slice %arg2[%dma_wait3A_440, %dma_wait3A_441] : memref<100000x128xf32, #tpu.memory_space<hbm>> -> memref<100000x128xf32, #tpu.memory_space<hbm>>
      %dma_wait3A_443 = tpu.memref_slice %arg7[%dma_wait3A_432] : memref<6x!tpu.dma_semaphore, #tpu.memory_space<semaphore_mem>> -> memref<1x!tpu.dma_semaphore, #tpu.memory_space<semaphore_mem>>
      %dma_wait3A_444 = tpu.memref_squeeze %dma_wait3A_443 : memref<1x!tpu.dma_semaphore, #tpu.memory_space<semaphore_mem>> -> memref<!tpu.dma_semaphore, #tpu.memory_space<semaphore_mem>>
      tpu.wait_indirect_dma semaphore(%dma_wait3A_444 : memref<!tpu.dma_semaphore, #tpu.memory_space<semaphore_mem>>) src(%dma_wait3A_442 : memref<100000x128xf32, #tpu.memory_space<hbm>>) dst(%dma_wait3A_436 : memref<128x128xf32, #tpu.memory_space<vmem>>)
      %add3A_445 = arith.constant 3 : i32
      %add3A_446 = arith.addi %mul3A_217, %add3A_445 : i32
      %add3A_447 = arith.constant 1 : i32
      %add3A_448 = arith.addi %add3A_446, %add3A_447 : i32
      %mul3A_449 = arith.constant 128 : i32
      %mul3A_450 = arith.muli %add3A_448, %mul3A_449 : i32
      %add3A_451 = arith.addi %mul3A_4, %mul3A_450 : i32
      %dma_start3A_452 = arith.constant 4 : i32
      %dma_start3A_453 = arith.constant 4 : i32
      %dma_start3A_454 = arith.constant 0 : i32
      %dma_start3A_455 = arith.constant 0 : i32
      %dma_start3A_456 = tpu.memref_slice %arg6[%dma_start3A_452, %dma_start3A_454, %dma_start3A_455] : memref<6x128x128xf32, #tpu.memory_space<vmem>> -> memref<1x128x128xf32, #tpu.memory_space<vmem>>
      %dma_start3A_457 = tpu.memref_squeeze %dma_start3A_456 : memref<1x128x128xf32, #tpu.memory_space<vmem>> -> memref<128x128xf32, #tpu.memory_space<vmem>>
      %dma_start3A_458 = arith.constant 0 : i32
      %dma_start3A_459 = tpu.memref_slice %arg4[%add3A_451, %dma_start3A_458] : memref<819200x128xf32, #tpu.memory_space<hbm>> -> memref<128x128xf32, #tpu.memory_space<hbm>>
      %dma_start3A_460 = tpu.memref_slice %arg8[%dma_start3A_453] : memref<6x!tpu.dma_semaphore, #tpu.memory_space<semaphore_mem>> -> memref<1x!tpu.dma_semaphore, #tpu.memory_space<semaphore_mem>>
      %dma_start3A_461 = tpu.memref_squeeze %dma_start3A_460 : memref<1x!tpu.dma_semaphore, #tpu.memory_space<semaphore_mem>> -> memref<!tpu.dma_semaphore, #tpu.memory_space<semaphore_mem>>
      %dma_start3A_462 = arith.constant 0 : i32
      %dma_start3A_463 = tpu.memref_slice %arg4[%add3A_451, %dma_start3A_462] : memref<819200x128xf32, #tpu.memory_space<hbm>> -> memref<128x128xf32, #tpu.memory_space<hbm>>
      %dma_start3A_464 = arith.constant 0 : i32
      %dma_start3A_465 = arith.constant 0 : i32
      %dma_start3A_466 = tpu.memref_slice %arg6[%dma_start3A_452, %dma_start3A_464, %dma_start3A_465] : memref<6x128x128xf32, #tpu.memory_space<vmem>> -> memref<1x128x128xf32, #tpu.memory_space<vmem>>
      %dma_start3A_467 = tpu.memref_squeeze %dma_start3A_466 : memref<1x128x128xf32, #tpu.memory_space<vmem>> -> memref<128x128xf32, #tpu.memory_space<vmem>>
      tpu.enqueue_dma source(%dma_start3A_467 : memref<128x128xf32, #tpu.memory_space<vmem>>) target(%dma_start3A_463 : memref<128x128xf32, #tpu.memory_space<hbm>>) target_semaphore(%dma_start3A_461 : memref<!tpu.dma_semaphore, #tpu.memory_space<semaphore_mem>>)
      %dma_wait3A_468 = arith.constant 0 : i32
      %dma_wait3A_469 = arith.constant 5 : i32
      %dma_wait3A_470 = arith.constant 5 : i32
      %dma_wait3A_471 = arith.constant 0 : i32
      %dma_wait3A_472 = arith.constant 0 : i32
      %dma_wait3A_473 = tpu.memref_slice %arg6[%dma_wait3A_469, %dma_wait3A_471, %dma_wait3A_472] : memref<6x128x128xf32, #tpu.memory_space<vmem>> -> memref<1x128x128xf32, #tpu.memory_space<vmem>>
      %dma_wait3A_474 = tpu.memref_squeeze %dma_wait3A_473 : memref<1x128x128xf32, #tpu.memory_space<vmem>> -> memref<128x128xf32, #tpu.memory_space<vmem>>
      %dma_wait3A_475 = arith.constant 0 : i32
      %dma_wait3A_476 = tpu.memref_slice %arg5[%dma_wait3A_468, %dma_wait3A_475] : memref<200x128xi32, #tpu.memory_space<vmem>> -> memref<1x128xi32, #tpu.memory_space<vmem>>
      %dma_wait3A_477 = tpu.memref_squeeze %dma_wait3A_476 : memref<1x128xi32, #tpu.memory_space<vmem>> -> memref<128xi32, #tpu.memory_space<vmem>>
      %dma_wait3A_478 = arith.constant 0 : i32
      %dma_wait3A_479 = arith.constant 0 : i32
      %dma_wait3A_480 = tpu.memref_slice %arg2[%dma_wait3A_478, %dma_wait3A_479] : memref<100000x128xf32, #tpu.memory_space<hbm>> -> memref<100000x128xf32, #tpu.memory_space<hbm>>
      %dma_wait3A_481 = tpu.memref_slice %arg7[%dma_wait3A_470] : memref<6x!tpu.dma_semaphore, #tpu.memory_space<semaphore_mem>> -> memref<1x!tpu.dma_semaphore, #tpu.memory_space<semaphore_mem>>
      %dma_wait3A_482 = tpu.memref_squeeze %dma_wait3A_481 : memref<1x!tpu.dma_semaphore, #tpu.memory_space<semaphore_mem>> -> memref<!tpu.dma_semaphore, #tpu.memory_space<semaphore_mem>>
      tpu.wait_indirect_dma semaphore(%dma_wait3A_482 : memref<!tpu.dma_semaphore, #tpu.memory_space<semaphore_mem>>) src(%dma_wait3A_480 : memref<100000x128xf32, #tpu.memory_space<hbm>>) dst(%dma_wait3A_474 : memref<128x128xf32, #tpu.memory_space<vmem>>)
      %add3A_483 = arith.constant 3 : i32
      %add3A_484 = arith.addi %mul3A_217, %add3A_483 : i32
      %add3A_485 = arith.constant 2 : i32
      %add3A_486 = arith.addi %add3A_484, %add3A_485 : i32
      %mul3A_487 = arith.constant 128 : i32
      %mul3A_488 = arith.muli %add3A_486, %mul3A_487 : i32
      %add3A_489 = arith.addi %mul3A_4, %mul3A_488 : i32
      %dma_start3A_490 = arith.constant 5 : i32
      %dma_start3A_491 = arith.constant 5 : i32
      %dma_start3A_492 = arith.constant 0 : i32
      %dma_start3A_493 = arith.constant 0 : i32
      %dma_start3A_494 = tpu.memref_slice %arg6[%dma_start3A_490, %dma_start3A_492, %dma_start3A_493] : memref<6x128x128xf32, #tpu.memory_space<vmem>> -> memref<1x128x128xf32, #tpu.memory_space<vmem>>
      %dma_start3A_495 = tpu.memref_squeeze %dma_start3A_494 : memref<1x128x128xf32, #tpu.memory_space<vmem>> -> memref<128x128xf32, #tpu.memory_space<vmem>>
      %dma_start3A_496 = arith.constant 0 : i32
      %dma_start3A_497 = tpu.memref_slice %arg4[%add3A_489, %dma_start3A_496] : memref<819200x128xf32, #tpu.memory_space<hbm>> -> memref<128x128xf32, #tpu.memory_space<hbm>>
      %dma_start3A_498 = tpu.memref_slice %arg8[%dma_start3A_491] : memref<6x!tpu.dma_semaphore, #tpu.memory_space<semaphore_mem>> -> memref<1x!tpu.dma_semaphore, #tpu.memory_space<semaphore_mem>>
      %dma_start3A_499 = tpu.memref_squeeze %dma_start3A_498 : memref<1x!tpu.dma_semaphore, #tpu.memory_space<semaphore_mem>> -> memref<!tpu.dma_semaphore, #tpu.memory_space<semaphore_mem>>
      %dma_start3A_500 = arith.constant 0 : i32
      %dma_start3A_501 = tpu.memref_slice %arg4[%add3A_489, %dma_start3A_500] : memref<819200x128xf32, #tpu.memory_space<hbm>> -> memref<128x128xf32, #tpu.memory_space<hbm>>
      %dma_start3A_502 = arith.constant 0 : i32
      %dma_start3A_503 = arith.constant 0 : i32
      %dma_start3A_504 = tpu.memref_slice %arg6[%dma_start3A_490, %dma_start3A_502, %dma_start3A_503] : memref<6x128x128xf32, #tpu.memory_space<vmem>> -> memref<1x128x128xf32, #tpu.memory_space<vmem>>
      %dma_start3A_505 = tpu.memref_squeeze %dma_start3A_504 : memref<1x128x128xf32, #tpu.memory_space<vmem>> -> memref<128x128xf32, #tpu.memory_space<vmem>>
      tpu.enqueue_dma source(%dma_start3A_505 : memref<128x128xf32, #tpu.memory_space<vmem>>) target(%dma_start3A_501 : memref<128x128xf32, #tpu.memory_space<hbm>>) target_semaphore(%dma_start3A_499 : memref<!tpu.dma_semaphore, #tpu.memory_space<semaphore_mem>>)
      %dma_wait3A_506 = arith.constant 0 : i32
      %dma_wait3A_507 = arith.constant 0 : i32
      %dma_wait3A_508 = arith.constant 0 : i32
      %dma_wait3A_509 = arith.constant 0 : i32
      %dma_wait3A_510 = tpu.memref_slice %arg6[%dma_wait3A_506, %dma_wait3A_508, %dma_wait3A_509] : memref<6x128x128xf32, #tpu.memory_space<vmem>> -> memref<1x128x128xf32, #tpu.memory_space<vmem>>
      %dma_wait3A_511 = tpu.memref_squeeze %dma_wait3A_510 : memref<1x128x128xf32, #tpu.memory_space<vmem>> -> memref<128x128xf32, #tpu.memory_space<vmem>>
      %dma_wait3A_512 = arith.constant 0 : i32
      %dma_wait3A_513 = tpu.memref_slice %arg4[%mul3A_4, %dma_wait3A_512] : memref<819200x128xf32, #tpu.memory_space<hbm>> -> memref<128x128xf32, #tpu.memory_space<hbm>>
      %dma_wait3A_514 = tpu.memref_slice %arg8[%dma_wait3A_507] : memref<6x!tpu.dma_semaphore, #tpu.memory_space<semaphore_mem>> -> memref<1x!tpu.dma_semaphore, #tpu.memory_space<semaphore_mem>>
      %dma_wait3A_515 = tpu.memref_squeeze %dma_wait3A_514 : memref<1x!tpu.dma_semaphore, #tpu.memory_space<semaphore_mem>> -> memref<!tpu.dma_semaphore, #tpu.memory_space<semaphore_mem>>
      %dma_wait3A_516 = arith.constant 0 : i32
      %dma_wait3A_517 = tpu.memref_slice %arg4[%mul3A_4, %dma_wait3A_516] : memref<819200x128xf32, #tpu.memory_space<hbm>> -> memref<128x128xf32, #tpu.memory_space<hbm>>
      %dma_wait3A_518 = arith.constant 0 : i32
      %dma_wait3A_519 = arith.constant 0 : i32
      %dma_wait3A_520 = tpu.memref_slice %arg6[%dma_wait3A_506, %dma_wait3A_518, %dma_wait3A_519] : memref<6x128x128xf32, #tpu.memory_space<vmem>> -> memref<1x128x128xf32, #tpu.memory_space<vmem>>
      %dma_wait3A_521 = tpu.memref_squeeze %dma_wait3A_520 : memref<1x128x128xf32, #tpu.memory_space<vmem>> -> memref<128x128xf32, #tpu.memory_space<vmem>>
      tpu.wait_dma2 semaphore(%dma_wait3A_515 : memref<!tpu.dma_semaphore, #tpu.memory_space<semaphore_mem>>) src(%dma_wait3A_521 : memref<128x128xf32, #tpu.memory_space<vmem>>) dst(%dma_wait3A_517 : memref<128x128xf32, #tpu.memory_space<hbm>>)
      %add3A_522 = arith.constant 6 : i32
      %add3A_523 = arith.addi %mul3A_217, %add3A_522 : i32
      %add3A_524 = arith.constant 0 : i32
      %add3A_525 = arith.addi %add3A_523, %add3A_524 : i32
      %dma_start3A_526 = arith.constant 0 : i32
      %dma_start3A_527 = arith.constant 0 : i32
      %dma_start3A_528 = arith.constant 0 : i32
      %dma_start3A_529 = arith.constant 0 : i32
      %dma_start3A_530 = tpu.memref_slice %arg6[%dma_start3A_526, %dma_start3A_528, %dma_start3A_529] : memref<6x128x128xf32, #tpu.memory_space<vmem>> -> memref<1x128x128xf32, #tpu.memory_space<vmem>>
      %dma_start3A_531 = tpu.memref_squeeze %dma_start3A_530 : memref<1x128x128xf32, #tpu.memory_space<vmem>> -> memref<128x128xf32, #tpu.memory_space<vmem>>
      %dma_start3A_532 = arith.constant 0 : i32
      %dma_start3A_533 = tpu.memref_slice %arg5[%add3A_525, %dma_start3A_532] : memref<200x128xi32, #tpu.memory_space<vmem>> -> memref<1x128xi32, #tpu.memory_space<vmem>>
      %dma_start3A_534 = tpu.memref_squeeze %dma_start3A_533 : memref<1x128xi32, #tpu.memory_space<vmem>> -> memref<128xi32, #tpu.memory_space<vmem>>
      %dma_start3A_535 = arith.constant 0 : i32
      %dma_start3A_536 = arith.constant 0 : i32
      %dma_start3A_537 = tpu.memref_slice %arg2[%dma_start3A_535, %dma_start3A_536] : memref<100000x128xf32, #tpu.memory_space<hbm>> -> memref<100000x128xf32, #tpu.memory_space<hbm>>
      %dma_start3A_538 = tpu.memref_slice %arg7[%dma_start3A_527] : memref<6x!tpu.dma_semaphore, #tpu.memory_space<semaphore_mem>> -> memref<1x!tpu.dma_semaphore, #tpu.memory_space<semaphore_mem>>
      %dma_start3A_539 = tpu.memref_squeeze %dma_start3A_538 : memref<1x!tpu.dma_semaphore, #tpu.memory_space<semaphore_mem>> -> memref<!tpu.dma_semaphore, #tpu.memory_space<semaphore_mem>>
      tpu.enqueue_indirect_dma source(%dma_start3A_537 : memref<100000x128xf32, #tpu.memory_space<hbm>>) target(%dma_start3A_531 : memref<128x128xf32, #tpu.memory_space<vmem>>) offsets(%dma_start3A_534 : memref<128xi32, #tpu.memory_space<vmem>>) semaphore(%dma_start3A_539 : memref<!tpu.dma_semaphore, #tpu.memory_space<semaphore_mem>>)
      %dma_wait3A_540 = arith.constant 1 : i32
      %dma_wait3A_541 = arith.constant 1 : i32
      %dma_wait3A_542 = arith.constant 0 : i32
      %dma_wait3A_543 = arith.constant 0 : i32
      %dma_wait3A_544 = tpu.memref_slice %arg6[%dma_wait3A_540, %dma_wait3A_542, %dma_wait3A_543] : memref<6x128x128xf32, #tpu.memory_space<vmem>> -> memref<1x128x128xf32, #tpu.memory_space<vmem>>
      %dma_wait3A_545 = tpu.memref_squeeze %dma_wait3A_544 : memref<1x128x128xf32, #tpu.memory_space<vmem>> -> memref<128x128xf32, #tpu.memory_space<vmem>>
      %dma_wait3A_546 = arith.constant 0 : i32
      %dma_wait3A_547 = tpu.memref_slice %arg4[%mul3A_4, %dma_wait3A_546] : memref<819200x128xf32, #tpu.memory_space<hbm>> -> memref<128x128xf32, #tpu.memory_space<hbm>>
      %dma_wait3A_548 = tpu.memref_slice %arg8[%dma_wait3A_541] : memref<6x!tpu.dma_semaphore, #tpu.memory_space<semaphore_mem>> -> memref<1x!tpu.dma_semaphore, #tpu.memory_space<semaphore_mem>>
      %dma_wait3A_549 = tpu.memref_squeeze %dma_wait3A_548 : memref<1x!tpu.dma_semaphore, #tpu.memory_space<semaphore_mem>> -> memref<!tpu.dma_semaphore, #tpu.memory_space<semaphore_mem>>
      %dma_wait3A_550 = arith.constant 0 : i32
      %dma_wait3A_551 = tpu.memref_slice %arg4[%mul3A_4, %dma_wait3A_550] : memref<819200x128xf32, #tpu.memory_space<hbm>> -> memref<128x128xf32, #tpu.memory_space<hbm>>
      %dma_wait3A_552 = arith.constant 0 : i32
      %dma_wait3A_553 = arith.constant 0 : i32
      %dma_wait3A_554 = tpu.memref_slice %arg6[%dma_wait3A_540, %dma_wait3A_552, %dma_wait3A_553] : memref<6x128x128xf32, #tpu.memory_space<vmem>> -> memref<1x128x128xf32, #tpu.memory_space<vmem>>
      %dma_wait3A_555 = tpu.memref_squeeze %dma_wait3A_554 : memref<1x128x128xf32, #tpu.memory_space<vmem>> -> memref<128x128xf32, #tpu.memory_space<vmem>>
      tpu.wait_dma2 semaphore(%dma_wait3A_549 : memref<!tpu.dma_semaphore, #tpu.memory_space<semaphore_mem>>) src(%dma_wait3A_555 : memref<128x128xf32, #tpu.memory_space<vmem>>) dst(%dma_wait3A_551 : memref<128x128xf32, #tpu.memory_space<hbm>>)
      %add3A_556 = arith.constant 6 : i32
      %add3A_557 = arith.addi %mul3A_217, %add3A_556 : i32
      %add3A_558 = arith.constant 1 : i32
      %add3A_559 = arith.addi %add3A_557, %add3A_558 : i32
      %dma_start3A_560 = arith.constant 1 : i32
      %dma_start3A_561 = arith.constant 1 : i32
      %dma_start3A_562 = arith.constant 0 : i32
      %dma_start3A_563 = arith.constant 0 : i32
      %dma_start3A_564 = tpu.memref_slice %arg6[%dma_start3A_560, %dma_start3A_562, %dma_start3A_563] : memref<6x128x128xf32, #tpu.memory_space<vmem>> -> memref<1x128x128xf32, #tpu.memory_space<vmem>>
      %dma_start3A_565 = tpu.memref_squeeze %dma_start3A_564 : memref<1x128x128xf32, #tpu.memory_space<vmem>> -> memref<128x128xf32, #tpu.memory_space<vmem>>
      %dma_start3A_566 = arith.constant 0 : i32
      %dma_start3A_567 = tpu.memref_slice %arg5[%add3A_559, %dma_start3A_566] : memref<200x128xi32, #tpu.memory_space<vmem>> -> memref<1x128xi32, #tpu.memory_space<vmem>>
      %dma_start3A_568 = tpu.memref_squeeze %dma_start3A_567 : memref<1x128xi32, #tpu.memory_space<vmem>> -> memref<128xi32, #tpu.memory_space<vmem>>
      %dma_start3A_569 = arith.constant 0 : i32
      %dma_start3A_570 = arith.constant 0 : i32
      %dma_start3A_571 = tpu.memref_slice %arg2[%dma_start3A_569, %dma_start3A_570] : memref<100000x128xf32, #tpu.memory_space<hbm>> -> memref<100000x128xf32, #tpu.memory_space<hbm>>
      %dma_start3A_572 = tpu.memref_slice %arg7[%dma_start3A_561] : memref<6x!tpu.dma_semaphore, #tpu.memory_space<semaphore_mem>> -> memref<1x!tpu.dma_semaphore, #tpu.memory_space<semaphore_mem>>
      %dma_start3A_573 = tpu.memref_squeeze %dma_start3A_572 : memref<1x!tpu.dma_semaphore, #tpu.memory_space<semaphore_mem>> -> memref<!tpu.dma_semaphore, #tpu.memory_space<semaphore_mem>>
      tpu.enqueue_indirect_dma source(%dma_start3A_571 : memref<100000x128xf32, #tpu.memory_space<hbm>>) target(%dma_start3A_565 : memref<128x128xf32, #tpu.memory_space<vmem>>) offsets(%dma_start3A_568 : memref<128xi32, #tpu.memory_space<vmem>>) semaphore(%dma_start3A_573 : memref<!tpu.dma_semaphore, #tpu.memory_space<semaphore_mem>>)
      %lt3A = arith.constant 32 : i32
      %lt3A_574 = arith.cmpi slt, %scan3A_215, %lt3A : i32
      %convert_element_type3A_575 = arith.extui %lt3A_574 : i1 to i32
      %cond3A_576 = arith.constant 0 : i32
      %cond3A_577 = arith.cmpi ne, %convert_element_type3A_575, %cond3A_576 : i32
      scf.if %cond3A_577 {
        %dma_wait3A_578 = arith.constant 2 : i32
        %dma_wait3A_579 = arith.constant 2 : i32
        %dma_wait3A_580 = arith.constant 0 : i32
        %dma_wait3A_581 = arith.constant 0 : i32
        %dma_wait3A_582 = tpu.memref_slice %arg6[%dma_wait3A_578, %dma_wait3A_580, %dma_wait3A_581] : memref<6x128x128xf32, #tpu.memory_space<vmem>> -> memref<1x128x128xf32, #tpu.memory_space<vmem>>
        %dma_wait3A_583 = tpu.memref_squeeze %dma_wait3A_582 : memref<1x128x128xf32, #tpu.memory_space<vmem>> -> memref<128x128xf32, #tpu.memory_space<vmem>>
        %dma_wait3A_584 = arith.constant 0 : i32
        %dma_wait3A_585 = tpu.memref_slice %arg4[%mul3A_4, %dma_wait3A_584] : memref<819200x128xf32, #tpu.memory_space<hbm>> -> memref<128x128xf32, #tpu.memory_space<hbm>>
        %dma_wait3A_586 = tpu.memref_slice %arg8[%dma_wait3A_579] : memref<6x!tpu.dma_semaphore, #tpu.memory_space<semaphore_mem>> -> memref<1x!tpu.dma_semaphore, #tpu.memory_space<semaphore_mem>>
        %dma_wait3A_587 = tpu.memref_squeeze %dma_wait3A_586 : memref<1x!tpu.dma_semaphore, #tpu.memory_space<semaphore_mem>> -> memref<!tpu.dma_semaphore, #tpu.memory_space<semaphore_mem>>
        %dma_wait3A_588 = arith.constant 0 : i32
        %dma_wait3A_589 = tpu.memref_slice %arg4[%mul3A_4, %dma_wait3A_588] : memref<819200x128xf32, #tpu.memory_space<hbm>> -> memref<128x128xf32, #tpu.memory_space<hbm>>
        %dma_wait3A_590 = arith.constant 0 : i32
        %dma_wait3A_591 = arith.constant 0 : i32
        %dma_wait3A_592 = tpu.memref_slice %arg6[%dma_wait3A_578, %dma_wait3A_590, %dma_wait3A_591] : memref<6x128x128xf32, #tpu.memory_space<vmem>> -> memref<1x128x128xf32, #tpu.memory_space<vmem>>
        %dma_wait3A_593 = tpu.memref_squeeze %dma_wait3A_592 : memref<1x128x128xf32, #tpu.memory_space<vmem>> -> memref<128x128xf32, #tpu.memory_space<vmem>>
        tpu.wait_dma2 semaphore(%dma_wait3A_587 : memref<!tpu.dma_semaphore, #tpu.memory_space<semaphore_mem>>) src(%dma_wait3A_593 : memref<128x128xf32, #tpu.memory_space<vmem>>) dst(%dma_wait3A_589 : memref<128x128xf32, #tpu.memory_space<hbm>>)
        %add3A_594 = arith.constant 6 : i32
        %add3A_595 = arith.addi %mul3A_217, %add3A_594 : i32
        %add3A_596 = arith.constant 2 : i32
        %add3A_597 = arith.addi %add3A_595, %add3A_596 : i32
        %dma_start3A_598 = arith.constant 2 : i32
        %dma_start3A_599 = arith.constant 2 : i32
        %dma_start3A_600 = arith.constant 0 : i32
        %dma_start3A_601 = arith.constant 0 : i32
        %dma_start3A_602 = tpu.memref_slice %arg6[%dma_start3A_598, %dma_start3A_600, %dma_start3A_601] : memref<6x128x128xf32, #tpu.memory_space<vmem>> -> memref<1x128x128xf32, #tpu.memory_space<vmem>>
        %dma_start3A_603 = tpu.memref_squeeze %dma_start3A_602 : memref<1x128x128xf32, #tpu.memory_space<vmem>> -> memref<128x128xf32, #tpu.memory_space<vmem>>
        %dma_start3A_604 = arith.constant 0 : i32
        %dma_start3A_605 = tpu.memref_slice %arg5[%add3A_597, %dma_start3A_604] : memref<200x128xi32, #tpu.memory_space<vmem>> -> memref<1x128xi32, #tpu.memory_space<vmem>>
        %dma_start3A_606 = tpu.memref_squeeze %dma_start3A_605 : memref<1x128xi32, #tpu.memory_space<vmem>> -> memref<128xi32, #tpu.memory_space<vmem>>
        %dma_start3A_607 = arith.constant 0 : i32
        %dma_start3A_608 = arith.constant 0 : i32
        %dma_start3A_609 = tpu.memref_slice %arg2[%dma_start3A_607, %dma_start3A_608] : memref<100000x128xf32, #tpu.memory_space<hbm>> -> memref<100000x128xf32, #tpu.memory_space<hbm>>
        %dma_start3A_610 = tpu.memref_slice %arg7[%dma_start3A_599] : memref<6x!tpu.dma_semaphore, #tpu.memory_space<semaphore_mem>> -> memref<1x!tpu.dma_semaphore, #tpu.memory_space<semaphore_mem>>
        %dma_start3A_611 = tpu.memref_squeeze %dma_start3A_610 : memref<1x!tpu.dma_semaphore, #tpu.memory_space<semaphore_mem>> -> memref<!tpu.dma_semaphore, #tpu.memory_space<semaphore_mem>>
        tpu.enqueue_indirect_dma source(%dma_start3A_609 : memref<100000x128xf32, #tpu.memory_space<hbm>>) target(%dma_start3A_603 : memref<128x128xf32, #tpu.memory_space<vmem>>) offsets(%dma_start3A_606 : memref<128xi32, #tpu.memory_space<vmem>>) semaphore(%dma_start3A_611 : memref<!tpu.dma_semaphore, #tpu.memory_space<semaphore_mem>>)
      } else {
      }
    }
    %scan3A_53 = arith.constant 33 : i32
    %dma_wait3A = arith.constant 0 : i32
    %dma_wait3A_54 = arith.constant 0 : i32
    %dma_wait3A_55 = arith.constant 0 : i32
    %dma_wait3A_56 = arith.constant 0 : i32
    %dma_wait3A_57 = arith.constant 0 : i32
    %dma_wait3A_58 = tpu.memref_slice %arg6[%dma_wait3A_54, %dma_wait3A_56, %dma_wait3A_57] : memref<6x128x128xf32, #tpu.memory_space<vmem>> -> memref<1x128x128xf32, #tpu.memory_space<vmem>>
    %dma_wait3A_59 = tpu.memref_squeeze %dma_wait3A_58 : memref<1x128x128xf32, #tpu.memory_space<vmem>> -> memref<128x128xf32, #tpu.memory_space<vmem>>
    %dma_wait3A_60 = arith.constant 0 : i32
    %dma_wait3A_61 = tpu.memref_slice %arg5[%dma_wait3A, %dma_wait3A_60] : memref<200x128xi32, #tpu.memory_space<vmem>> -> memref<1x128xi32, #tpu.memory_space<vmem>>
    %dma_wait3A_62 = tpu.memref_squeeze %dma_wait3A_61 : memref<1x128xi32, #tpu.memory_space<vmem>> -> memref<128xi32, #tpu.memory_space<vmem>>
    %dma_wait3A_63 = arith.constant 0 : i32
    %dma_wait3A_64 = arith.constant 0 : i32
    %dma_wait3A_65 = tpu.memref_slice %arg2[%dma_wait3A_63, %dma_wait3A_64] : memref<100000x128xf32, #tpu.memory_space<hbm>> -> memref<100000x128xf32, #tpu.memory_space<hbm>>
    %dma_wait3A_66 = tpu.memref_slice %arg7[%dma_wait3A_55] : memref<6x!tpu.dma_semaphore, #tpu.memory_space<semaphore_mem>> -> memref<1x!tpu.dma_semaphore, #tpu.memory_space<semaphore_mem>>
    %dma_wait3A_67 = tpu.memref_squeeze %dma_wait3A_66 : memref<1x!tpu.dma_semaphore, #tpu.memory_space<semaphore_mem>> -> memref<!tpu.dma_semaphore, #tpu.memory_space<semaphore_mem>>
    tpu.wait_indirect_dma semaphore(%dma_wait3A_67 : memref<!tpu.dma_semaphore, #tpu.memory_space<semaphore_mem>>) src(%dma_wait3A_65 : memref<100000x128xf32, #tpu.memory_space<hbm>>) dst(%dma_wait3A_59 : memref<128x128xf32, #tpu.memory_space<vmem>>)
    %add3A_68 = arith.constant 25344 : i32
    %add3A_69 = arith.addi %mul3A_4, %add3A_68 : i32
    %dma_start3A_70 = arith.constant 0 : i32
    %dma_start3A_71 = arith.constant 0 : i32
    %dma_start3A_72 = arith.constant 0 : i32
    %dma_start3A_73 = arith.constant 0 : i32
    %dma_start3A_74 = tpu.memref_slice %arg6[%dma_start3A_70, %dma_start3A_72, %dma_start3A_73] : memref<6x128x128xf32, #tpu.memory_space<vmem>> -> memref<1x128x128xf32, #tpu.memory_space<vmem>>
    %dma_start3A_75 = tpu.memref_squeeze %dma_start3A_74 : memref<1x128x128xf32, #tpu.memory_space<vmem>> -> memref<128x128xf32, #tpu.memory_space<vmem>>
    %dma_start3A_76 = arith.constant 0 : i32
    %dma_start3A_77 = tpu.memref_slice %arg4[%add3A_69, %dma_start3A_76] : memref<819200x128xf32, #tpu.memory_space<hbm>> -> memref<128x128xf32, #tpu.memory_space<hbm>>
    %dma_start3A_78 = tpu.memref_slice %arg8[%dma_start3A_71] : memref<6x!tpu.dma_semaphore, #tpu.memory_space<semaphore_mem>> -> memref<1x!tpu.dma_semaphore, #tpu.memory_space<semaphore_mem>>
    %dma_start3A_79 = tpu.memref_squeeze %dma_start3A_78 : memref<1x!tpu.dma_semaphore, #tpu.memory_space<semaphore_mem>> -> memref<!tpu.dma_semaphore, #tpu.memory_space<semaphore_mem>>
    %dma_start3A_80 = arith.constant 0 : i32
    %dma_start3A_81 = tpu.memref_slice %arg4[%add3A_69, %dma_start3A_80] : memref<819200x128xf32, #tpu.memory_space<hbm>> -> memref<128x128xf32, #tpu.memory_space<hbm>>
    %dma_start3A_82 = arith.constant 0 : i32
    %dma_start3A_83 = arith.constant 0 : i32
    %dma_start3A_84 = tpu.memref_slice %arg6[%dma_start3A_70, %dma_start3A_82, %dma_start3A_83] : memref<6x128x128xf32, #tpu.memory_space<vmem>> -> memref<1x128x128xf32, #tpu.memory_space<vmem>>
    %dma_start3A_85 = tpu.memref_squeeze %dma_start3A_84 : memref<1x128x128xf32, #tpu.memory_space<vmem>> -> memref<128x128xf32, #tpu.memory_space<vmem>>
    tpu.enqueue_dma source(%dma_start3A_85 : memref<128x128xf32, #tpu.memory_space<vmem>>) target(%dma_start3A_81 : memref<128x128xf32, #tpu.memory_space<hbm>>) target_semaphore(%dma_start3A_79 : memref<!tpu.dma_semaphore, #tpu.memory_space<semaphore_mem>>)
    %dma_wait3A_86 = arith.constant 0 : i32
    %dma_wait3A_87 = arith.constant 1 : i32
    %dma_wait3A_88 = arith.constant 1 : i32
    %dma_wait3A_89 = arith.constant 0 : i32
    %dma_wait3A_90 = arith.constant 0 : i32
    %dma_wait3A_91 = tpu.memref_slice %arg6[%dma_wait3A_87, %dma_wait3A_89, %dma_wait3A_90] : memref<6x128x128xf32, #tpu.memory_space<vmem>> -> memref<1x128x128xf32, #tpu.memory_space<vmem>>
    %dma_wait3A_92 = tpu.memref_squeeze %dma_wait3A_91 : memref<1x128x128xf32, #tpu.memory_space<vmem>> -> memref<128x128xf32, #tpu.memory_space<vmem>>
    %dma_wait3A_93 = arith.constant 0 : i32
    %dma_wait3A_94 = tpu.memref_slice %arg5[%dma_wait3A_86, %dma_wait3A_93] : memref<200x128xi32, #tpu.memory_space<vmem>> -> memref<1x128xi32, #tpu.memory_space<vmem>>
    %dma_wait3A_95 = tpu.memref_squeeze %dma_wait3A_94 : memref<1x128xi32, #tpu.memory_space<vmem>> -> memref<128xi32, #tpu.memory_space<vmem>>
    %dma_wait3A_96 = arith.constant 0 : i32
    %dma_wait3A_97 = arith.constant 0 : i32
    %dma_wait3A_98 = tpu.memref_slice %arg2[%dma_wait3A_96, %dma_wait3A_97] : memref<100000x128xf32, #tpu.memory_space<hbm>> -> memref<100000x128xf32, #tpu.memory_space<hbm>>
    %dma_wait3A_99 = tpu.memref_slice %arg7[%dma_wait3A_88] : memref<6x!tpu.dma_semaphore, #tpu.memory_space<semaphore_mem>> -> memref<1x!tpu.dma_semaphore, #tpu.memory_space<semaphore_mem>>
    %dma_wait3A_100 = tpu.memref_squeeze %dma_wait3A_99 : memref<1x!tpu.dma_semaphore, #tpu.memory_space<semaphore_mem>> -> memref<!tpu.dma_semaphore, #tpu.memory_space<semaphore_mem>>
    tpu.wait_indirect_dma semaphore(%dma_wait3A_100 : memref<!tpu.dma_semaphore, #tpu.memory_space<semaphore_mem>>) src(%dma_wait3A_98 : memref<100000x128xf32, #tpu.memory_space<hbm>>) dst(%dma_wait3A_92 : memref<128x128xf32, #tpu.memory_space<vmem>>)
    %add3A_101 = arith.constant 25472 : i32
    %add3A_102 = arith.addi %mul3A_4, %add3A_101 : i32
    %dma_start3A_103 = arith.constant 1 : i32
    %dma_start3A_104 = arith.constant 1 : i32
    %dma_start3A_105 = arith.constant 0 : i32
    %dma_start3A_106 = arith.constant 0 : i32
    %dma_start3A_107 = tpu.memref_slice %arg6[%dma_start3A_103, %dma_start3A_105, %dma_start3A_106] : memref<6x128x128xf32, #tpu.memory_space<vmem>> -> memref<1x128x128xf32, #tpu.memory_space<vmem>>
    %dma_start3A_108 = tpu.memref_squeeze %dma_start3A_107 : memref<1x128x128xf32, #tpu.memory_space<vmem>> -> memref<128x128xf32, #tpu.memory_space<vmem>>
    %dma_start3A_109 = arith.constant 0 : i32
    %dma_start3A_110 = tpu.memref_slice %arg4[%add3A_102, %dma_start3A_109] : memref<819200x128xf32, #tpu.memory_space<hbm>> -> memref<128x128xf32, #tpu.memory_space<hbm>>
    %dma_start3A_111 = tpu.memref_slice %arg8[%dma_start3A_104] : memref<6x!tpu.dma_semaphore, #tpu.memory_space<semaphore_mem>> -> memref<1x!tpu.dma_semaphore, #tpu.memory_space<semaphore_mem>>
    %dma_start3A_112 = tpu.memref_squeeze %dma_start3A_111 : memref<1x!tpu.dma_semaphore, #tpu.memory_space<semaphore_mem>> -> memref<!tpu.dma_semaphore, #tpu.memory_space<semaphore_mem>>
    %dma_start3A_113 = arith.constant 0 : i32
    %dma_start3A_114 = tpu.memref_slice %arg4[%add3A_102, %dma_start3A_113] : memref<819200x128xf32, #tpu.memory_space<hbm>> -> memref<128x128xf32, #tpu.memory_space<hbm>>
    %dma_start3A_115 = arith.constant 0 : i32
    %dma_start3A_116 = arith.constant 0 : i32
    %dma_start3A_117 = tpu.memref_slice %arg6[%dma_start3A_103, %dma_start3A_115, %dma_start3A_116] : memref<6x128x128xf32, #tpu.memory_space<vmem>> -> memref<1x128x128xf32, #tpu.memory_space<vmem>>
    %dma_start3A_118 = tpu.memref_squeeze %dma_start3A_117 : memref<1x128x128xf32, #tpu.memory_space<vmem>> -> memref<128x128xf32, #tpu.memory_space<vmem>>
    tpu.enqueue_dma source(%dma_start3A_118 : memref<128x128xf32, #tpu.memory_space<vmem>>) target(%dma_start3A_114 : memref<128x128xf32, #tpu.memory_space<hbm>>) target_semaphore(%dma_start3A_112 : memref<!tpu.dma_semaphore, #tpu.memory_space<semaphore_mem>>)
    %dma_wait3A_119 = arith.constant 0 : i32
    %dma_wait3A_120 = arith.constant 0 : i32
    %dma_wait3A_121 = arith.constant 0 : i32
    %dma_wait3A_122 = arith.constant 0 : i32
    %dma_wait3A_123 = tpu.memref_slice %arg6[%dma_wait3A_119, %dma_wait3A_121, %dma_wait3A_122] : memref<6x128x128xf32, #tpu.memory_space<vmem>> -> memref<1x128x128xf32, #tpu.memory_space<vmem>>
    %dma_wait3A_124 = tpu.memref_squeeze %dma_wait3A_123 : memref<1x128x128xf32, #tpu.memory_space<vmem>> -> memref<128x128xf32, #tpu.memory_space<vmem>>
    %dma_wait3A_125 = arith.constant 0 : i32
    %dma_wait3A_126 = tpu.memref_slice %arg4[%mul3A_4, %dma_wait3A_125] : memref<819200x128xf32, #tpu.memory_space<hbm>> -> memref<128x128xf32, #tpu.memory_space<hbm>>
    %dma_wait3A_127 = tpu.memref_slice %arg8[%dma_wait3A_120] : memref<6x!tpu.dma_semaphore, #tpu.memory_space<semaphore_mem>> -> memref<1x!tpu.dma_semaphore, #tpu.memory_space<semaphore_mem>>
    %dma_wait3A_128 = tpu.memref_squeeze %dma_wait3A_127 : memref<1x!tpu.dma_semaphore, #tpu.memory_space<semaphore_mem>> -> memref<!tpu.dma_semaphore, #tpu.memory_space<semaphore_mem>>
    %dma_wait3A_129 = arith.constant 0 : i32
    %dma_wait3A_130 = tpu.memref_slice %arg4[%mul3A_4, %dma_wait3A_129] : memref<819200x128xf32, #tpu.memory_space<hbm>> -> memref<128x128xf32, #tpu.memory_space<hbm>>
    %dma_wait3A_131 = arith.constant 0 : i32
    %dma_wait3A_132 = arith.constant 0 : i32
    %dma_wait3A_133 = tpu.memref_slice %arg6[%dma_wait3A_119, %dma_wait3A_131, %dma_wait3A_132] : memref<6x128x128xf32, #tpu.memory_space<vmem>> -> memref<1x128x128xf32, #tpu.memory_space<vmem>>
    %dma_wait3A_134 = tpu.memref_squeeze %dma_wait3A_133 : memref<1x128x128xf32, #tpu.memory_space<vmem>> -> memref<128x128xf32, #tpu.memory_space<vmem>>
    tpu.wait_dma2 semaphore(%dma_wait3A_128 : memref<!tpu.dma_semaphore, #tpu.memory_space<semaphore_mem>>) src(%dma_wait3A_134 : memref<128x128xf32, #tpu.memory_space<vmem>>) dst(%dma_wait3A_130 : memref<128x128xf32, #tpu.memory_space<hbm>>)
    %dma_wait3A_135 = arith.constant 1 : i32
    %dma_wait3A_136 = arith.constant 1 : i32
    %dma_wait3A_137 = arith.constant 0 : i32
    %dma_wait3A_138 = arith.constant 0 : i32
    %dma_wait3A_139 = tpu.memref_slice %arg6[%dma_wait3A_135, %dma_wait3A_137, %dma_wait3A_138] : memref<6x128x128xf32, #tpu.memory_space<vmem>> -> memref<1x128x128xf32, #tpu.memory_space<vmem>>
    %dma_wait3A_140 = tpu.memref_squeeze %dma_wait3A_139 : memref<1x128x128xf32, #tpu.memory_space<vmem>> -> memref<128x128xf32, #tpu.memory_space<vmem>>
    %dma_wait3A_141 = arith.constant 0 : i32
    %dma_wait3A_142 = tpu.memref_slice %arg4[%mul3A_4, %dma_wait3A_141] : memref<819200x128xf32, #tpu.memory_space<hbm>> -> memref<128x128xf32, #tpu.memory_space<hbm>>
    %dma_wait3A_143 = tpu.memref_slice %arg8[%dma_wait3A_136] : memref<6x!tpu.dma_semaphore, #tpu.memory_space<semaphore_mem>> -> memref<1x!tpu.dma_semaphore, #tpu.memory_space<semaphore_mem>>
    %dma_wait3A_144 = tpu.memref_squeeze %dma_wait3A_143 : memref<1x!tpu.dma_semaphore, #tpu.memory_space<semaphore_mem>> -> memref<!tpu.dma_semaphore, #tpu.memory_space<semaphore_mem>>
    %dma_wait3A_145 = arith.constant 0 : i32
    %dma_wait3A_146 = tpu.memref_slice %arg4[%mul3A_4, %dma_wait3A_145] : memref<819200x128xf32, #tpu.memory_space<hbm>> -> memref<128x128xf32, #tpu.memory_space<hbm>>
    %dma_wait3A_147 = arith.constant 0 : i32
    %dma_wait3A_148 = arith.constant 0 : i32
    %dma_wait3A_149 = tpu.memref_slice %arg6[%dma_wait3A_135, %dma_wait3A_147, %dma_wait3A_148] : memref<6x128x128xf32, #tpu.memory_space<vmem>> -> memref<1x128x128xf32, #tpu.memory_space<vmem>>
    %dma_wait3A_150 = tpu.memref_squeeze %dma_wait3A_149 : memref<1x128x128xf32, #tpu.memory_space<vmem>> -> memref<128x128xf32, #tpu.memory_space<vmem>>
    tpu.wait_dma2 semaphore(%dma_wait3A_144 : memref<!tpu.dma_semaphore, #tpu.memory_space<semaphore_mem>>) src(%dma_wait3A_150 : memref<128x128xf32, #tpu.memory_space<vmem>>) dst(%dma_wait3A_146 : memref<128x128xf32, #tpu.memory_space<hbm>>)
    %dma_wait3A_151 = arith.constant 2 : i32
    %dma_wait3A_152 = arith.constant 2 : i32
    %dma_wait3A_153 = arith.constant 0 : i32
    %dma_wait3A_154 = arith.constant 0 : i32
    %dma_wait3A_155 = tpu.memref_slice %arg6[%dma_wait3A_151, %dma_wait3A_153, %dma_wait3A_154] : memref<6x128x128xf32, #tpu.memory_space<vmem>> -> memref<1x128x128xf32, #tpu.memory_space<vmem>>
    %dma_wait3A_156 = tpu.memref_squeeze %dma_wait3A_155 : memref<1x128x128xf32, #tpu.memory_space<vmem>> -> memref<128x128xf32, #tpu.memory_space<vmem>>
    %dma_wait3A_157 = arith.constant 0 : i32
    %dma_wait3A_158 = tpu.memref_slice %arg4[%mul3A_4, %dma_wait3A_157] : memref<819200x128xf32, #tpu.memory_space<hbm>> -> memref<128x128xf32, #tpu.memory_space<hbm>>
    %dma_wait3A_159 = tpu.memref_slice %arg8[%dma_wait3A_152] : memref<6x!tpu.dma_semaphore, #tpu.memory_space<semaphore_mem>> -> memref<1x!tpu.dma_semaphore, #tpu.memory_space<semaphore_mem>>
    %dma_wait3A_160 = tpu.memref_squeeze %dma_wait3A_159 : memref<1x!tpu.dma_semaphore, #tpu.memory_space<semaphore_mem>> -> memref<!tpu.dma_semaphore, #tpu.memory_space<semaphore_mem>>
    %dma_wait3A_161 = arith.constant 0 : i32
    %dma_wait3A_162 = tpu.memref_slice %arg4[%mul3A_4, %dma_wait3A_161] : memref<819200x128xf32, #tpu.memory_space<hbm>> -> memref<128x128xf32, #tpu.memory_space<hbm>>
    %dma_wait3A_163 = arith.constant 0 : i32
    %dma_wait3A_164 = arith.constant 0 : i32
    %dma_wait3A_165 = tpu.memref_slice %arg6[%dma_wait3A_151, %dma_wait3A_163, %dma_wait3A_164] : memref<6x128x128xf32, #tpu.memory_space<vmem>> -> memref<1x128x128xf32, #tpu.memory_space<vmem>>
    %dma_wait3A_166 = tpu.memref_squeeze %dma_wait3A_165 : memref<1x128x128xf32, #tpu.memory_space<vmem>> -> memref<128x128xf32, #tpu.memory_space<vmem>>
    tpu.wait_dma2 semaphore(%dma_wait3A_160 : memref<!tpu.dma_semaphore, #tpu.memory_space<semaphore_mem>>) src(%dma_wait3A_166 : memref<128x128xf32, #tpu.memory_space<vmem>>) dst(%dma_wait3A_162 : memref<128x128xf32, #tpu.memory_space<hbm>>)
    %dma_wait3A_167 = arith.constant 3 : i32
    %dma_wait3A_168 = arith.constant 3 : i32
    %dma_wait3A_169 = arith.constant 0 : i32
    %dma_wait3A_170 = arith.constant 0 : i32
    %dma_wait3A_171 = tpu.memref_slice %arg6[%dma_wait3A_167, %dma_wait3A_169, %dma_wait3A_170] : memref<6x128x128xf32, #tpu.memory_space<vmem>> -> memref<1x128x128xf32, #tpu.memory_space<vmem>>
    %dma_wait3A_172 = tpu.memref_squeeze %dma_wait3A_171 : memref<1x128x128xf32, #tpu.memory_space<vmem>> -> memref<128x128xf32, #tpu.memory_space<vmem>>
    %dma_wait3A_173 = arith.constant 0 : i32
    %dma_wait3A_174 = tpu.memref_slice %arg4[%mul3A_4, %dma_wait3A_173] : memref<819200x128xf32, #tpu.memory_space<hbm>> -> memref<128x128xf32, #tpu.memory_space<hbm>>
    %dma_wait3A_175 = tpu.memref_slice %arg8[%dma_wait3A_168] : memref<6x!tpu.dma_semaphore, #tpu.memory_space<semaphore_mem>> -> memref<1x!tpu.dma_semaphore, #tpu.memory_space<semaphore_mem>>
    %dma_wait3A_176 = tpu.memref_squeeze %dma_wait3A_175 : memref<1x!tpu.dma_semaphore, #tpu.memory_space<semaphore_mem>> -> memref<!tpu.dma_semaphore, #tpu.memory_space<semaphore_mem>>
    %dma_wait3A_177 = arith.constant 0 : i32
    %dma_wait3A_178 = tpu.memref_slice %arg4[%mul3A_4, %dma_wait3A_177] : memref<819200x128xf32, #tpu.memory_space<hbm>> -> memref<128x128xf32, #tpu.memory_space<hbm>>
    %dma_wait3A_179 = arith.constant 0 : i32
    %dma_wait3A_180 = arith.constant 0 : i32
    %dma_wait3A_181 = tpu.memref_slice %arg6[%dma_wait3A_167, %dma_wait3A_179, %dma_wait3A_180] : memref<6x128x128xf32, #tpu.memory_space<vmem>> -> memref<1x128x128xf32, #tpu.memory_space<vmem>>
    %dma_wait3A_182 = tpu.memref_squeeze %dma_wait3A_181 : memref<1x128x128xf32, #tpu.memory_space<vmem>> -> memref<128x128xf32, #tpu.memory_space<vmem>>
    tpu.wait_dma2 semaphore(%dma_wait3A_176 : memref<!tpu.dma_semaphore, #tpu.memory_space<semaphore_mem>>) src(%dma_wait3A_182 : memref<128x128xf32, #tpu.memory_space<vmem>>) dst(%dma_wait3A_178 : memref<128x128xf32, #tpu.memory_space<hbm>>)
    %dma_wait3A_183 = arith.constant 4 : i32
    %dma_wait3A_184 = arith.constant 4 : i32
    %dma_wait3A_185 = arith.constant 0 : i32
    %dma_wait3A_186 = arith.constant 0 : i32
    %dma_wait3A_187 = tpu.memref_slice %arg6[%dma_wait3A_183, %dma_wait3A_185, %dma_wait3A_186] : memref<6x128x128xf32, #tpu.memory_space<vmem>> -> memref<1x128x128xf32, #tpu.memory_space<vmem>>
    %dma_wait3A_188 = tpu.memref_squeeze %dma_wait3A_187 : memref<1x128x128xf32, #tpu.memory_space<vmem>> -> memref<128x128xf32, #tpu.memory_space<vmem>>
    %dma_wait3A_189 = arith.constant 0 : i32
    %dma_wait3A_190 = tpu.memref_slice %arg4[%mul3A_4, %dma_wait3A_189] : memref<819200x128xf32, #tpu.memory_space<hbm>> -> memref<128x128xf32, #tpu.memory_space<hbm>>
    %dma_wait3A_191 = tpu.memref_slice %arg8[%dma_wait3A_184] : memref<6x!tpu.dma_semaphore, #tpu.memory_space<semaphore_mem>> -> memref<1x!tpu.dma_semaphore, #tpu.memory_space<semaphore_mem>>
    %dma_wait3A_192 = tpu.memref_squeeze %dma_wait3A_191 : memref<1x!tpu.dma_semaphore, #tpu.memory_space<semaphore_mem>> -> memref<!tpu.dma_semaphore, #tpu.memory_space<semaphore_mem>>
    %dma_wait3A_193 = arith.constant 0 : i32
    %dma_wait3A_194 = tpu.memref_slice %arg4[%mul3A_4, %dma_wait3A_193] : memref<819200x128xf32, #tpu.memory_space<hbm>> -> memref<128x128xf32, #tpu.memory_space<hbm>>
    %dma_wait3A_195 = arith.constant 0 : i32
    %dma_wait3A_196 = arith.constant 0 : i32
    %dma_wait3A_197 = tpu.memref_slice %arg6[%dma_wait3A_183, %dma_wait3A_195, %dma_wait3A_196] : memref<6x128x128xf32, #tpu.memory_space<vmem>> -> memref<1x128x128xf32, #tpu.memory_space<vmem>>
    %dma_wait3A_198 = tpu.memref_squeeze %dma_wait3A_197 : memref<1x128x128xf32, #tpu.memory_space<vmem>> -> memref<128x128xf32, #tpu.memory_space<vmem>>
    tpu.wait_dma2 semaphore(%dma_wait3A_192 : memref<!tpu.dma_semaphore, #tpu.memory_space<semaphore_mem>>) src(%dma_wait3A_198 : memref<128x128xf32, #tpu.memory_space<vmem>>) dst(%dma_wait3A_194 : memref<128x128xf32, #tpu.memory_space<hbm>>)
    %dma_wait3A_199 = arith.constant 5 : i32
    %dma_wait3A_200 = arith.constant 5 : i32
    %dma_wait3A_201 = arith.constant 0 : i32
    %dma_wait3A_202 = arith.constant 0 : i32
    %dma_wait3A_203 = tpu.memref_slice %arg6[%dma_wait3A_199, %dma_wait3A_201, %dma_wait3A_202] : memref<6x128x128xf32, #tpu.memory_space<vmem>> -> memref<1x128x128xf32, #tpu.memory_space<vmem>>
    %dma_wait3A_204 = tpu.memref_squeeze %dma_wait3A_203 : memref<1x128x128xf32, #tpu.memory_space<vmem>> -> memref<128x128xf32, #tpu.memory_space<vmem>>
    %dma_wait3A_205 = arith.constant 0 : i32
    %dma_wait3A_206 = tpu.memref_slice %arg4[%mul3A_4, %dma_wait3A_205] : memref<819200x128xf32, #tpu.memory_space<hbm>> -> memref<128x128xf32, #tpu.memory_space<hbm>>
    %dma_wait3A_207 = tpu.memref_slice %arg8[%dma_wait3A_200] : memref<6x!tpu.dma_semaphore, #tpu.memory_space<semaphore_mem>> -> memref<1x!tpu.dma_semaphore, #tpu.memory_space<semaphore_mem>>
    %dma_wait3A_208 = tpu.memref_squeeze %dma_wait3A_207 : memref<1x!tpu.dma_semaphore, #tpu.memory_space<semaphore_mem>> -> memref<!tpu.dma_semaphore, #tpu.memory_space<semaphore_mem>>
    %dma_wait3A_209 = arith.constant 0 : i32
    %dma_wait3A_210 = tpu.memref_slice %arg4[%mul3A_4, %dma_wait3A_209] : memref<819200x128xf32, #tpu.memory_space<hbm>> -> memref<128x128xf32, #tpu.memory_space<hbm>>
    %dma_wait3A_211 = arith.constant 0 : i32
    %dma_wait3A_212 = arith.constant 0 : i32
    %dma_wait3A_213 = tpu.memref_slice %arg6[%dma_wait3A_199, %dma_wait3A_211, %dma_wait3A_212] : memref<6x128x128xf32, #tpu.memory_space<vmem>> -> memref<1x128x128xf32, #tpu.memory_space<vmem>>
    %dma_wait3A_214 = tpu.memref_squeeze %dma_wait3A_213 : memref<1x128x128xf32, #tpu.memory_space<vmem>> -> memref<128x128xf32, #tpu.memory_space<vmem>>
    tpu.wait_dma2 semaphore(%dma_wait3A_208 : memref<!tpu.dma_semaphore, #tpu.memory_space<semaphore_mem>>) src(%dma_wait3A_214 : memref<128x128xf32, #tpu.memory_space<vmem>>) dst(%dma_wait3A_210 : memref<128x128xf32, #tpu.memory_space<hbm>>)
    return
  }
}

</mosaic_0001>

<sc_bundles>
// kernel: kernel.3.cloned.1.call-start
scs
__scs_entry_jumppad:
0x0: {  	(pc) =	sbr.rel $0x88, $3  }
0x1: {  	(tag) =	ssettag $0x0;
	lr =	simm.s32 $0x1  }
0x2: {  	[smem:$0x3F9F] =	sst lr;
	_ =	strace $0xD0000000  }
0x3: {  	_ = 	snop  }
0x4: {  	_ = 	snop  }
0x5: {  	_ = 	snop  }
0x6: {  	_ = 	snop  }
0x7: {  	_ = 	snop  }
__scs_overlays_trampoline_lowered:
0x8: {  	[smem:$0x3FAE] =	sst s0  }
0x9: {  	[smem:$0x3FAF] =	sst s1  }
0xa: {  	[smem:$0x3FB0] =	sst s2  }
0xb: {  	[smem:$0x3FB1] =	sst s3  }
0xc: {  	[smem:$0x3FB2] =	sst s4  }
0xd: {  	[smem:$0x3FB3] =	sst s5  }
0xe: {  	[smem:$0x3FB4] =	sst s6  }
0xf: {  	[smem:$0x3FB5] =	sst s7  }
0x10: {  	[smem:$0x3FB6] =	sst s8  }
0x11: {  	[smem:$0x3FB7] =	sst s9;
	s0 =	simm.s32 @!p0 $0x0  }
0x12: {  	s1 =	sld [smem:$0x3F9D];
	s0 =	simm.s32 @p0 $0x1  }
0x13: {  	[smem:$0x3FB8] =	sst s0;
	s0 =	simm.s32 @!p1 $0x0  }
0x14: {  	s2 =	sld [smem:$0x3F9C];
	s0 =	simm.s32 @p1 $0x1  }
0x15: {  	[smem:$0x3FB9] =	sst s0;
	s0 =	simm.s32 @!p2 $0x0  }
0x16: {  	s3 =	sld [smem:$0x3FDB];
	s0 =	simm.s32 @p2 $0x1  }
0x17: {  	s4 =	simm.s32 $0x1BF5;
	[smem:$0x3FBB] =	sst s0  }
0x18: {  	s0 =	sld [smem:$0x3F9E];
	_ =	swait.ge [sflag:s4], $0x0  }
0x19: {  	s7 =	sld [smem:$0x3F9F]  }
0x1a: {  	s8 =	sadd.s32 $0xFFFFE003, lr  }
0x1b: {  	s9 =	sadd.s32 $0xFFFFFEF7, lr;
	s5 =	simm.s32 $0xFFFFFFFF;
	p2 =	slt.u32 s8, $0xFFFFF086  }
0x1c: {  	p1 =	slt.u32 s9, $0xF7A;
	s5 =	simm.s32 @!p2 $0x0  }
0x1d: {  	s5 =	simm.s32 @p1 $0x1;
	p0 =	seq.s32 s7, s2  }
0x1e: {  	s7 =	smul.u32 @!p0 $0xF7A, s2;
	p2 =	seq.s32 @!p0 s5, $0x0  }
0x1f: {  	s9 =	smul.u32 $0xF7A, s1;
	s8 =	simm.s32 @!p0 $0x1BF5;
	p2 =	por !p2, p0  }
0x20: {  	[sflag:s8] =	ssyncset.s32 @!p0 $0xFFFFF086;
	s6 =	sadd.s32 @!p0 s3, s7;
	s7 =	simm.s32 @!p0 $0x108  }
0x21: {  	s3 =	sadd.s32 s3, s9;
	s6 =	sadd.s32 @!p0 $0x88, s6;
	s7 =	simm.s32 @p2 $0x1082  }
0x22: {  	[simem:s7], [sflag:s8] =	dma.local @!p0 [hbm:s6], $0xF7A  }
0x23: {  	s9 =	sor.u32 $0xD0000000, s2;
	s6 =	simm.s32 $0x108;
	_ =	swait.ge @!p0 [sflag:s8], $0x0  }
0x24: {  	s3 =	sadd.s32 $0x88, s3;
	s6 =	simm.s32 @!p1 $0x1082;
	[sflag:s4] =	ssyncset.s32 $0xFFFFF086  }
0x25: {  	[simem:s6], [sflag:s4] =	dma.local [hbm:s3], $0xF7A  }
0x26: {  	[smem:$0x3F9F] =	sst s1;
	(tag) =	ssettag s2;
	_ =	strace s9  }
0x27: {  	s1 =	sld [smem:$0x3FAF]  }
0x28: {  	s2 =	sld [smem:$0x3FB0]  }
0x29: {  	s4 =	sld [smem:$0x3FB2]  }
0x2a: {  	p0 =	seq.s32 s5, $0x0;
	s5 =	sld [smem:$0x3FB3]  }
0x2b: {  	s6 =	sld [smem:$0x3FB4]  }
0x2c: {  	s7 =	sld [smem:$0x3FB5]  }
0x2d: {  	s3 =	simm.s32 $0x108;
	s8 =	sld [smem:$0x3FB6]  }
0x2e: {  	s3 =	simm.s32 @!p0 $0x1082;
	s9 =	sld [smem:$0x3FB7]  }
0x2f: {  	lr =	sadd.s32 s0, s3;
	s0 =	sld [smem:$0x3FAE]  }
0x30: {  	s3 =	sld [smem:$0x3FB1]  }
0x31: {  	[smem:$0x3FBA] =	sst s10  }
0x32: {  	s10 =	sld [smem:$0x3FB8];
	_ =	sdelay $0x3  }
0x33: {  	p0 =	seq.s32 s10, $0x1;
	s10 =	sld [smem:$0x3FBA];
	_ =	sdelay $0x3  }
0x34: {  	[smem:$0x3FBA] =	sst s10  }
0x35: {  	s10 =	sld [smem:$0x3FB9];
	_ =	sdelay $0x3  }
0x36: {  	p1 =	seq.s32 s10, $0x1;
	s10 =	sld [smem:$0x3FBA];
	_ =	sdelay $0x3  }
0x37: {  	[smem:$0x3FBA] =	sst s10  }
0x38: {  	s10 =	sld [smem:$0x3FBB]  }
0x39: {  	_ = 	snop;
	(pc) =	sbr.ind lr, $3  }
0x3a: {  	_ = 	snop  }
0x3b: {  	_ = 	snop  }
0x3c: {  	p2 =	seq.s32 s10, $0x1;
	s10 =	sld [smem:$0x3FBA]  }
0x3d: {  	_ =	shalt  }
0x3e: {  	_ =	shalt  }
0x3f: {  	_ =	shalt  }
0x40: {  	_ =	shalt  }
0x41: {  	_ =	shalt  }
0x42: {  	_ =	shalt  }
0x43: {  	_ =	shalt  }
0x44: {  	_ =	shalt  }
0x45: {  	_ =	shalt  }
0x46: {  	_ =	shalt  }
0x47: {  	_ =	shalt  }
0x48: {  	_ =	shalt  }
0x49: {  	_ =	shalt  }
0x4a: {  	_ =	shalt  }
0x4b: {  	_ =	shalt  }
0x4c: {  	_ =	shalt  }
0x4d: {  	_ =	shalt  }
0x4e: {  	_ =	shalt  }
0x4f: {  	_ =	shalt  }
0x50: {  	_ =	shalt  }
0x51: {  	_ =	shalt  }
0x52: {  	_ =	shalt  }
0x53: {  	_ =	shalt  }
0x54: {  	_ =	shalt  }
0x55: {  	_ =	shalt  }
0x56: {  	_ =	shalt  }
0x57: {  	_ =	shalt  }
0x58: {  	_ =	shalt  }
0x59: {  	_ =	shalt  }
0x5a: {  	_ =	shalt  }
0x5b: {  	_ =	shalt  }
0x5c: {  	_ =	shalt  }
0x5d: {  	_ =	shalt  }
0x5e: {  	_ =	shalt  }
0x5f: {  	_ =	shalt  }
0x60: {  	_ =	shalt  }
0x61: {  	_ =	shalt  }
0x62: {  	_ =	shalt  }
0x63: {  	_ =	shalt  }
0x64: {  	_ =	shalt  }
0x65: {  	_ =	shalt  }
0x66: {  	_ =	shalt  }
0x67: {  	_ =	shalt  }
0x68: {  	_ =	shalt  }
0x69: {  	_ =	shalt  }
0x6a: {  	_ =	shalt  }
0x6b: {  	_ =	shalt  }
0x6c: {  	_ =	shalt  }
0x6d: {  	_ =	shalt  }
0x6e: {  	_ =	shalt  }
0x6f: {  	_ =	shalt  }
0x70: {  	_ =	shalt  }
0x71: {  	_ =	shalt  }
0x72: {  	_ =	shalt  }
0x73: {  	_ =	shalt  }
0x74: {  	_ =	shalt  }
0x75: {  	_ =	shalt  }
0x76: {  	_ =	shalt  }
0x77: {  	_ =	shalt  }
0x78: {  	_ =	shalt  }
0x79: {  	_ =	shalt  }
0x7a: {  	_ =	shalt  }
0x7b: {  	_ =	shalt  }
0x7c: {  	_ =	shalt  }
0x7d: {  	_ =	shalt  }
0x7e: {  	_ =	shalt  }
0x7f: {  	_ =	shalt  }
0x80: {  	_ =	shalt  }
0x81: {  	_ =	shalt  }
0x82: {  	_ =	shalt  }
0x83: {  	_ =	shalt  }
0x84: {  	_ =	shalt  }
0x85: {  	_ =	shalt  }
0x86: {  	_ =	shalt  }
0x87: {  	_ =	shalt  }
.Lfunc_end0:
.L_simem_size_0:
called_computation_lowered:
.L_overlay_start_0:
0x88: {  	s2 =	sld [smem:$0x3FD9]  }
0x89: {  	s3 =	sld [smem:$0x3FFE];
	_ =	sdelay $0x1  }
0x8a: {  	s1 =	srdreg.scid  }
0x8b: {  	s0 =	sand.u32 $0x1, s1  }
0x8c: {  	s17 =	sshll.u32 s0, $0xA;
	s2 =	sadd.s32 s3, s2  }
0x8d: {  	s2 =	sadd.s32 s2, s17  }
0x8e: {  	[smem:$0x3FC6] =	sst s2  }
0x8f: {  	_ = 	snop  }
0x90: {  	s2 =	sld [smem:$0x3FC8]  }
0x91: {  	s18 =	sld [smem:$0x3FD0];
	(tm) =	ssettm $0x1  }
0x92: {  	s4 =	sld [smem:$0x3FFB];
	_ =	sdelay $0x3  }
0x93: {  	_ =	strace s4  }
0x94: {  	s4 =	sld [smem:$0x3FFC];
	_ =	sdelay $0x3  }
0x95: {  	_ =	strace s4  }
0x96: {  	s4 =	sld [smem:$0x3FFD];
	_ =	sdelay $0x3  }
0x97: {  	_ =	strace s4  }
0x98: {  	_ =	strace $0x8FFFFFFF  }
0x99: {  	s19 =	sld [smem:$0x3FDB];
	_ =	sdelay $0x1  }
0x9a: {  	s5 =	simm.s32 $_scs_section_size  }
0x9b: {  	s6 =	simm.s32 $_size__tile_overlayer_lowered;
	s7 =	simm.s32 $_tile_overlayer_lowered  }
0x9c: {  	s22 =	simm.s32 $0x1BFF;
	s21 =	sshll.u32 s7, $0x1;
	s4 =	sadd.s32 s5, s19  }
0x9d: {  	s8 =	simm.s32 $0x0;
	s20 =	sshll.u32 s6, $0x1;
	s6 =	sadd.s32 s21, s4  }
0x9e: {  	[timem:s8], [sflag:s22] =	dma.local [hbm:s6], s20  }
0x9f: {  	_ =	swait.ge [sflag:s22], s20  }
0xa0: {  	s5 =	ssub.s32 $0x0, s20;
	[sflag:s22] =	ssyncset.done $0x0  }
0xa1: {  	[sflag:s22] =	ssyncadd.s32 s5;
	_ =	sdelay $0x1  }
0xa2: {  	s23 =	simm.s32 $0x1B8B  }
0xa3: {  	_ =	swait.ge [sflag:s23], $0x1  }
0xa4: {  	[sflag:s23] =	ssyncset.done $0x0  }
0xa5: {  	s25 =	simm.s32 $0x1B8E;
	s24 =	sld [smem:$0x3FFE];
	[sflag:s23] =	ssyncadd.s32 $0xFFFFFFFF  }
0xa6: {  	s26 =	simm.s32 $execute0_lowered;
	[smem:$0x3FD2] =	sst s25  }
0xa7: {  	s6 =	sshll.u32 s26, $0x1;
	_ =	strace $0x80000046;
	[dreg:$0x1] =	wrdreg $0xFFFFFFFF  }
0xa8: {  	s28 =	simm.s32 $_size_execute0_lowered;
	s4 =	sadd.s32 s4, s6;
	[dreg:$0x0] =	wrdreg $0x0  }
0xa9: {  	s6 =	sshll.u32 s28, $0x1;
	[dreg:$0x2] =	wrdreg s4  }
0xaa: {  	[dreg:$0x3] =	wrdreg s6  }
0xab: {  	[dreg:$0x4] =	wrdreg $0xC0  }
0xac: {  	_ =	task [dreg:s8], $0x5FFFF  }
0xad: {  	[dreg:$0x1] =	wrdreg $0xFFFFFFFF  }
0xae: {  	[dreg:$0x0] =	wrdreg $0x60  }
0xaf: {  	[dreg:$0x2] =	wrdreg s2  }
0xb0: {  	[dreg:$0x3] =	wrdreg s24  }
0xb1: {  	[dreg:$0x4] =	wrdreg s18  }
0xb2: {  	[dreg:$0x5] =	wrdreg $0x9  }
0xb3: {  	_ =	task.clear_ibuf [dreg:s8], $0x6FFFF;
	_ =	strace $0x90000046  }
0xb4: {  	s29 =	simm.s32 $0x9;
	_ =	strace $0x80000048  }
0xb5: {  	_ =	swait.ge [sflag:s29], $0x1  }
0xb6: {  	[sflag:s29] =	ssyncadd.s32 $0xFFFFFFFF  }
0xb7: {  	_ =	strace $0x90000048  }
0xb8: {  	_ =	sfence  }
0xb9: {  	s30 =	sld [smem:$0x0];
	_ =	sdelay $0x2  }
0xba: {  	s31 =	sshll.u32 s1, $0xD;
	s1 =	sshrl.u32 s1, $0x2  }
0xbb: {  	s3 =	sand.u32 $0x4000, s31;
	s1 =	sadd.s32 s1, s30  }
0xbc: {  	s0 =	sor.u32 s3, s0;
	s1 =	sshll.u32 s1, $0x11  }
0xbd: {  	s0 =	sor.u32 s1, s0  }
0xbe: {  	s0 =	sadd.s32 $0x8F2B, s0  }
0xbf: {  	[sflag:s0] =	ssyncadd.remote.s32 $0x1  }
0xc0: {  	_ =	sfence.sel $0xFFFF  }
0xc1: {  	[dreg:$0x0] =	wrdreg $0xFFFFFFFF;
	(pc) =	sbr.abs _section_cstart, $3  }
0xc2: {  	[dreg:$0x1] =	wrdreg $0xFFFFFFFF  }
0xc3: {  	_ =	task.clear_ibuf [dreg:s8], $0x2FFFF;
	_ =	strace $0x9FFFFFFF  }
0xc4: {  	(tm) =	ssettm $0x7FFFFFFF  }
0xc5: {  	_ =	shalt  }
tec
execute0_lowered:
.L_overlay_start_1:
0x0: {  	(tag) =	ssettag $0x1  }
0x1: {  	s1 =	rddreg [dreg:$0x0];
	s0 =	srdreg.scid  }
0x2: {  	s9 =	stileid.u32;
	s2 =	rddreg [dreg:$0x1]  }
0x3: {  	s3 =	rddreg [dreg:$0x2];
	s12 =	simm.s32 $0x80;
	s13 =	simm.s32 $0x6400  }
0x4: {  	s14 =	simm.s32 $0xA400;
	s16 =	simm.s32 $0xE400;
	s17 =	simm.s32 $0x1  }
0x5: {  	s18 =	simm.s32 $0x2;
	s19 =	simm.s32 $0x3;
	s20 =	simm.s32 $0x1A400  }
0x6: {  	s21 =	simm.s32 $0x4;
	s28 =	simm.s32 $0x8;
	s29 =	simm.s32 $0x9  }
0x7: {  	s0 =	sand.u32 $0x1, s0;
	s4 =	sshll.u32 s9, $0x1;
	s9 =	smul.u32 $0xC8000, s9  }
0x8: {  	s6 =	sor.u32 s0, s4;
	s8 =	ssub.s32 $0x2, s0;
	s0 =	smul.u32 $0x64000, s0  }
0x9: {  	s30 =	simm.s32 $0xA;
	s4 =	simm.s32 $0x0;
	s7 =	smul.u32 $0xC80, s6  }
0xa: {  	s31 =	simm.s32 $0xB;
	[smem:$0x7FF] =	sst s4;
	s5 =	smul.u32 $0x6400, s6  }
0xb: {  	s6 =	smul.u32 $0x320000, s6;
	s22 =	sshrl.u32 s8, $0x1;
	s24 =	sadd.s32 s9, s3  }
0xc: {  	_ =	strace $0x80000047;
	s0 =	sadd.s32 s0, s24;
	s24 =	simm.s32 $0x16400  }
0xd: {  	s2 =	sadd.s32 s7, s2;
	s7 =	ssub.s32 s8, s22;
	s6 =	sshrl.u32 s6, $0x3  }
0xe: {  	s0 =	sadd.s32 $0x2800, s0;
	s22 =	simm.s32 $0x12400;
	s2 =	sadd.s32 $0x400, s2  }
.Ltmp0:
0xf: {  	s23 =	sadd.s32 s3, s6;
	[dreg:$0x8] =	wrdreg s0;
	(pc) =	sbr.rel .LBB2_1-.Ltmp0, $4  }
0x10: {  	s26 =	smax.u32 s7, $0x1;
	s0 =	simm.s32 $0x0;
	[dreg:$0x4] =	wrdreg s2  }
0x11: {  	s25 =	sadd.s32 $0x63000, s23;
	s2 =	sadd.s32 $0x63800, s23;
	[dreg:$0x7] =	wrdreg s26  }
0x12: {  	s23 =	simm.s32 $0x5;
	s26 =	simm.s32 $0x7;
	[dreg:$0x5] =	wrdreg s25  }
0x13: {  	[dreg:$0x6] =	wrdreg s2;
	s25 =	simm.s32 $0x6;
	s2 =	simm.s32 $0xC  }
.LBB2_4:
0x14: {  	_ =	swait.ge [sflag:s17], $0x4000  }
0x15: {  	[sflag:s17] =	ssyncset.done $0x0  }
0x16: {  	s6 =	rddreg [dreg:$0x5];
	[sflag:s17] =	ssyncadd.s32 $0xFFFFC000  }
0x17: {  	[hbm4b:s6+s4] =	stream.linear.scatter [tilespmem:s13], [sflag:$0x7], $0x4000, $0x38;
	[tilespmem:$0x1E400] =	vst v63  }
0x18: {  	_ =	swait.ge [sflag:s18], $0x4000  }
0x19: {  	[sflag:s18] =	ssyncset.done $0x0  }
0x1a: {  	s11 =	rddreg [dreg:$0x6];
	[sflag:s18] =	ssyncadd.s32 $0xFFFFC000  }
0x1b: {  	[hbm4b:s11+s4] =	stream.linear.scatter [tilespmem:s14], [sflag:$0x8], $0x4000, $0x38;
	[tilespmem:$0x1E400] =	vst v63  }
0x1c: {  	_ =	swait.ge [sflag:s26], $0x4000  }
0x1d: {  	[sflag:s26] =	ssyncset.done $0x0  }
0x1e: {  	[sflag:s26] =	ssyncadd.s32 $0xFFFFC000  }
0x1f: {  	_ =	swait.ge [sflag:s28], $0x4000  }
0x20: {  	[sflag:s28] =	ssyncset.done $0x0  }
0x21: {  	[sflag:s28] =	ssyncadd.s32 $0xFFFFC000  }
0x22: {  	_ =	swait.ge [sflag:s29], $0x4000  }
0x23: {  	[sflag:s29] =	ssyncset.done $0x0  }
0x24: {  	[sflag:s29] =	ssyncadd.s32 $0xFFFFC000  }
0x25: {  	_ =	swait.ge [sflag:s30], $0x4000  }
0x26: {  	[sflag:s30] =	ssyncset.done $0x0  }
0x27: {  	[sflag:s30] =	ssyncadd.s32 $0xFFFFC000  }
0x28: {  	_ =	swait.ge [sflag:s31], $0x4000  }
0x29: {  	[sflag:s31] =	ssyncset.done $0x0  }
0x2a: {  	[sflag:s31] =	ssyncadd.s32 $0xFFFFC000  }
0x2b: {  	_ =	swait.ge [sflag:s2], $0x4000  }
0x2c: {  	s0 =	sadd.s32 $0x1, s0;
	s15 =	rddreg [dreg:$0x7]  }
0x2d: {  	p0 =	sne.s32 s0, s15  }
.Ltmp1:
0x2e: {  	_ = 	snop;
	(pc) =	sbr.rel @!p0 .LBB2_5-.Ltmp1, $3  }
0x2f: {  	_ =	sdelay $0x1  }
0x30: {  	[sflag:s2] =	ssyncset.done $0x0  }
0x31: {  	[sflag:s2] =	ssyncadd.s32 $0xFFFFC000  }
.LBB2_1:
0x32: {  	s6 =	rddreg [dreg:$0x4];
	s11 =	simm.s32 $0xD  }
0x33: {  	[tilespmem:s4], [sflag:$0xD] =	stream.linear.gather [hbm4b:s6+s4], $0x6400, $0x38;
	[tilespmem:$0x1E400] =	vst v63  }
0x34: {  	_ =	swait.ge [sflag:s11], $0x6400  }
0x35: {  	[sflag:s11] =	ssyncset.done $0x0  }
0x36: {  	[sflag:s11] =	ssyncadd.s32 $0xFFFF9C00  }
0x37: {  	[tilespmem:s13], [sflag:$0x1] =	stream.indirect.gather [hbm4b:s1+s12], $0x80, s4, s12, $0xb8;
	[tilespmem:$0x1E400] =	vst v63  }
0x38: {  	_ = 	snop  }
0x39: {  	[tilespmem:s14], [sflag:$0x2] =	stream.indirect.gather [hbm4b:s1+s12], $0x80, s12, s12, $0xb8;
	[tilespmem:$0x1E400] =	vst v63  }
0x3a: {  	s15 =	simm.s32 $0x100  }
0x3b: {  	[tilespmem:s16], [sflag:$0x3] =	stream.indirect.gather [hbm4b:s1+s12], $0x80, s15, s12, $0xb8;
	[tilespmem:$0x1E400] =	vst v63  }
0x3c: {  	s7 =	simm.s32 $0x0;
	s10 =	rddreg [dreg:$0x8];
	s15 =	simm.s32 $0x200  }
.LBB2_2:
0x3d: {  	_ =	swait.ge [sflag:s17], $0x4000  }
0x3e: {  	[sflag:s17] =	ssyncset.done $0x0  }
0x3f: {  	s8 =	sadd.s32 $0xFFFFD800, s10;
	[sflag:s17] =	ssyncadd.s32 $0xFFFFC000  }
0x40: {  	[hbm4b:s8+s4] =	stream.linear.scatter [tilespmem:s13], [sflag:$0x7], $0x4000, $0x38;
	[tilespmem:$0x1E400] =	vst v63  }
0x41: {  	_ =	swait.ge [sflag:s18], $0x4000  }
0x42: {  	[sflag:s18] =	ssyncset.done $0x0  }
0x43: {  	s6 =	sadd.s32 $0xFFFFE000, s10;
	[sflag:s18] =	ssyncadd.s32 $0xFFFFC000  }
0x44: {  	[hbm4b:s6+s4] =	stream.linear.scatter [tilespmem:s14], [sflag:$0x8], $0x4000, $0x38;
	[tilespmem:$0x1E400] =	vst v63  }
0x45: {  	_ =	swait.ge [sflag:s19], $0x4000  }
0x46: {  	p0 =	sne.s32 s7, $0x0;
	[sflag:s19] =	ssyncset.done $0x0  }
0x47: {  	s9 =	sadd.s32 $0xFFFFE800, s10;
	s8 =	simm.s32 @p0 $0xA;
	[sflag:s19] =	ssyncadd.s32 $0xFFFFC000  }
0x48: {  	[hbm4b:s9+s4] =	stream.linear.scatter [tilespmem:s16], [sflag:$0x9], $0x4000, $0x38;
	[tilespmem:$0x1E400] =	vst v63  }
0x49: {  	_ =	swait.ge @p0 [sflag:s8], $0x4000  }
0x4a: {  	[sflag:s8] =	ssyncset.done @p0 $0x0  }
0x4b: {  	[sflag:s8] =	ssyncadd.s32 @p0 $0xFFFFC000;
	s8 =	sshra.s32 @p0 s7, $0x2  }
0x4c: {  	s11 =	simm.s32 @p0 $0x12400;
	s6 =	simm.s32 @p0 $0x80;
	s9 =	sadd.s32 @p0 $0x180, s8  }
0x4d: {  	[tilespmem:s11], [sflag:$0x4] =	stream.indirect.gather @p0 [hbm4b:s1+s6], $0x80, s9, s6, $0xb8;
	[tilespmem:$0x1E400] =	vst v63  }
0x4e: {  	s9 =	simm.s32 @p0 $0xB  }
0x4f: {  	_ =	swait.ge @p0 [sflag:s9], $0x4000  }
0x50: {  	[sflag:s9] =	ssyncset.done @p0 $0x0  }
0x51: {  	s8 =	sadd.s32 @p0 $0x200, s8;
	[sflag:s9] =	ssyncadd.s32 @p0 $0xFFFFC000;
	s9 =	simm.s32 @p0 $0x16400  }
0x52: {  	[tilespmem:s9], [sflag:$0x5] =	stream.indirect.gather @p0 [hbm4b:s1+s6], $0x80, s8, s6, $0xb8;
	[tilespmem:$0x1E400] =	vst v63  }
0x53: {  	s6 =	simm.s32 @p0 $0xC  }
0x54: {  	_ =	swait.ge @p0 [sflag:s6], $0x4000  }
0x55: {  	s8 =	simm.s32 @!p0 $0x180;
	[sflag:s6] =	ssyncset.done @p0 $0x0  }
0x56: {  	s9 =	simm.s32 @!p0 $0x12400;
	[sflag:s6] =	ssyncadd.s32 @p0 $0xFFFFC000;
	s6 =	simm.s32 @!p0 $0x80  }
0x57: {  	[tilespmem:s9], [sflag:$0x4] =	stream.indirect.gather @!p0 [hbm4b:s1+s6], $0x80, s8, s6, $0xb8;
	[tilespmem:$0x1E400] =	vst v63  }
0x58: {  	s8 =	simm.s32 @!p0 $0x200;
	s9 =	simm.s32 @!p0 $0x16400  }
0x59: {  	[tilespmem:s9], [sflag:$0x5] =	stream.indirect.gather @!p0 [hbm4b:s1+s6], $0x80, s8, s6, $0xb8;
	[tilespmem:$0x1E400] =	vst v63  }
0x5a: {  	s8 =	sshra.s32 s7, $0x2;
	s6 =	sadd.s32 @p0 $0xFFFFFF80, s15  }
0x5b: {  	s11 =	sadd.s32 $0x280, s8;
	s6 =	simm.s32 @!p0 $0x180  }
0x5c: {  	[tilespmem:s20], [sflag:$0x6] =	stream.indirect.gather [hbm4b:s1+s12], $0x80, s11, s12, $0xb8;
	[tilespmem:$0x1E400] =	vst v63  }
0x5d: {  	s6 =	sadd.s32 s5, s6;
	_ =	swait.ge [sflag:s21], $0x4000  }
0x5e: {  	s6 =	sshll.u32 s6, $0x4;
	[sflag:s21] =	ssyncset.done $0x0  }
0x5f: {  	s6 =	sadd.s32 s3, s6;
	[sflag:s21] =	ssyncadd.s32 $0xFFFFC000  }
0x60: {  	[hbm4b:s6+s4] =	stream.linear.scatter [tilespmem:s22], [sflag:$0xA], $0x4000, $0x38;
	[tilespmem:$0x1E400] =	vst v63  }
0x61: {  	s6 =	smov.u32 s15  }
0x62: {  	s6 =	simm.s32 @!p0 $0x200  }
0x63: {  	_ =	swait.ge [sflag:s23], $0x4000;
	s6 =	sadd.s32 s5, s6  }
0x64: {  	[sflag:s23] =	ssyncset.done $0x0;
	s6 =	sshll.u32 s6, $0x4  }
0x65: {  	[sflag:s23] =	ssyncadd.s32 $0xFFFFC000;
	s6 =	sadd.s32 s3, s6  }
0x66: {  	[hbm4b:s6+s4] =	stream.linear.scatter [tilespmem:s24], [sflag:$0xB], $0x4000, $0x38;
	[tilespmem:$0x1E400] =	vst v63  }
0x67: {  	_ =	swait.ge [sflag:s25], $0x4000  }
0x68: {  	[sflag:s25] =	ssyncset.done $0x0  }
0x69: {  	[sflag:s25] =	ssyncadd.s32 $0xFFFFC000  }
0x6a: {  	[hbm4b:s10+s4] =	stream.linear.scatter [tilespmem:s20], [sflag:$0xC], $0x4000, $0x38;
	[tilespmem:$0x1E400] =	vst v63  }
0x6b: {  	_ =	swait.ge [sflag:s26], $0x4000  }
0x6c: {  	[sflag:s26] =	ssyncset.done $0x0  }
0x6d: {  	s9 =	sadd.s32 $0x300, s8;
	p0 =	seq.s32 s7, $0x18000;
	[sflag:s26] =	ssyncadd.s32 $0xFFFFC000  }
0x6e: {  	[tilespmem:s13], [sflag:$0x1] =	stream.indirect.gather [hbm4b:s1+s12], $0x80, s9, s12, $0xb8;
	[tilespmem:$0x1E400] =	vst v63  }
.Ltmp2:
0x6f: {  	_ = 	snop;
	(pc) =	sbr.rel @p0 .LBB2_4-.Ltmp2, $4  }
0x70: {  	_ =	swait.ge [sflag:s28], $0x4000  }
0x71: {  	[sflag:s28] =	ssyncset.done $0x0  }
0x72: {  	s11 =	sadd.s32 $0x380, s8;
	[sflag:s28] =	ssyncadd.s32 $0xFFFFC000  }
0x73: {  	[tilespmem:s14], [sflag:$0x2] =	stream.indirect.gather [hbm4b:s1+s12], $0x80, s11, s12, $0xb8;
	[tilespmem:$0x1E400] =	vst v63  }
.Ltmp3:
0x74: {  	(pc) =	sbr.rel .LBB2_2-.Ltmp3, $4  }
0x75: {  	_ =	swait.ge [sflag:s29], $0x4000  }
0x76: {  	s6 =	sadd.s32 $0x400, s8;
	s7 =	sadd.s32 $0xC00, s7;
	[sflag:s29] =	ssyncset.done $0x0  }
0x77: {  	s10 =	sadd.s32 $0x3000, s10;
	s15 =	sadd.s32 $0x300, s15;
	[sflag:s29] =	ssyncadd.s32 $0xFFFFC000  }
0x78: {  	[tilespmem:s16], [sflag:$0x3] =	stream.indirect.gather [hbm4b:s1+s12], $0x80, s6, s12, $0xb8;
	[tilespmem:$0x1E400] =	vst v63  }
.LBB2_5:
0x79: {  	_ =	sfence.sel $0x180000  }
0x7a: {  	[bflag:$0x0] =	sbarrier.arrive $0xFFFF  }
0x7b: {  	_ =	strace $0x90000047  }
0x7c: {  	s0 =	stileid.u32;
	[bflag:$0x2] =	sbarrier.arrive $0xFFFF  }
0x7d: {  	p0 =	sne.s32 s0, $0x0;
	s0 =	rddreg [dreg:$0x3]  }
0x7e: {  	s0 =	sadd.s32 @!p0 $0x100000, s0  }
0x7f: {  	[sflag:s0] =	ssyncadd.tile.s32 @!p0 $0x1;
	_ =	shalt  }
.Lfunc_end2:
_tile_overlayer_lowered:
.L_overlay_start_2:
0x80: {  	(tag) =	ssettag $0x2  }
0x81: {  	s0 =	rddreg [dreg:$0x0];
	s2 =	stileid.u32  }
0x82: {  	s1 =	rddreg [dreg:$0x1];
	p0 =	sne.s32 s2, $0x0  }
0x83: {  	s3 =	rddreg [dreg:$0x2];
	[bflag:$0x3] =	sbarrier.arrive $0xFFFF;
	s2 =	simm.s32 @!p0 $0x1C0D  }
0x84: {  	[timem:s3], [sflag:s2] =	dma.local @!p0 [hbm:s0], s1  }
0x85: {  	s0 =	simm.s32 @!p0 $0xD  }
0x86: {  	_ =	swait.ge @!p0 [sflag:s0], s1  }
0x87: {  	s1 =	ssub.s32 @!p0 $0x0, s1;
	[sflag:s0] =	ssyncset.done @!p0 $0x0  }
0x88: {  	[sflag:s0] =	ssyncadd.s32 @!p0 s1  }
0x89: {  	[bflag:$0x3] =	sbarrier.arrive $0xFFFF  }
0x8a: {  	_ =	shalt  }

</sc_bundles>
